<compile_context>
chip_gen: v7x
topology: tpu7x:2x2x1
jax: 0.10.2.dev20260603
libtpu: 0.0.44.dev20260713+nightly
codegen_flags: <defaults>
</compile_context>

<pallas_src>
import functools

import jax
import jax.numpy as jnp
from jax import lax
from jax.experimental import pallas as pl
from jax.experimental.pallas import tpu as pltpu
from jax.experimental.pallas import tpu_sc as plsc

D_MODEL = 768
MAX_REL = 127
LQ = 32
LK = 4096
NC, NS = 2, 16
HEAD = 160
GROWS = 192
TAIL = LK - HEAD


def _sc_g_body(table_hbm, g_hbm, idx, buf, gsem):
    c = lax.axis_index("c")
    s = lax.axis_index("s")
    w = s * NC + c
    base = jnp.minimum(8 * w, GROWS - 16)

    k16 = lax.iota(jnp.int32, 16) + base
    idx[...] = jnp.maximum(MAX_REL + (LQ - 1) - k16, 0)
    pltpu.async_copy(table_hbm.at[idx], buf, gsem).wait()
    pltpu.sync_copy(buf, g_hbm.at[pl.ds(base, 16)])


_sc_gather_g = functools.partial(
    pl.kernel,
    out_type=jax.ShapeDtypeStruct((GROWS, D_MODEL), jnp.float32),
    mesh=plsc.VectorSubcoreMesh(
        core_axis_name="c", subcore_axis_name="s", num_cores=NC, num_subcores=NS
    ),
    scratch_types=[
        pltpu.VMEM((16,), jnp.int32),
        pltpu.VMEM((16, D_MODEL), jnp.float32),
        pltpu.SemaphoreType.DMA,
    ],
)(_sc_g_body)


def _tc_fill_body(g_ref, table_ref, out_ref, head_v, const_v, sem_a, sem_b):
    const_v[...] = jnp.broadcast_to(table_ref[0:1, :], (TAIL, D_MODEL))
    h = TAIL // 2
    copies = []
    for i in range(LQ):
        base = i * LK + HEAD
        copies.append(
            pltpu.async_copy(const_v.at[pl.ds(0, h)], out_ref.at[pl.ds(base, h)], sem_b)
        )
        copies.append(
            pltpu.async_copy(const_v.at[pl.ds(h, h)], out_ref.at[pl.ds(base + h, h)], sem_a)
        )
    for i in range(LQ):
        shift = (LQ - 1) - i
        head_v[pl.ds(i * HEAD, HEAD)] = g_ref[pl.ds(shift, HEAD)]
    for i in range(LQ):
        copies.append(
            pltpu.async_copy(
                head_v.at[pl.ds(i * HEAD, HEAD)], out_ref.at[pl.ds(i * LK, HEAD)], sem_a
            )
        )
    for cp in copies:
        cp.wait()


_tc_fill = pl.pallas_call(
    _tc_fill_body,
    grid=(1,),
    in_specs=[
        pl.BlockSpec((GROWS, D_MODEL), lambda i: (0, 0)),
        pl.BlockSpec((8, D_MODEL), lambda i: (0, 0)),
    ],
    out_specs=pl.BlockSpec(memory_space=pl.ANY),
    out_shape=jax.ShapeDtypeStruct((LQ * LK, D_MODEL), jnp.float32),
    scratch_shapes=[
        pltpu.VMEM((LQ * HEAD, D_MODEL), jnp.float32),
        pltpu.VMEM((TAIL, D_MODEL), jnp.float32),
        pltpu.SemaphoreType.DMA,
        pltpu.SemaphoreType.DMA,
    ],
)


def kernel(length_q, length_k, relative_embeddings):
    del length_q, length_k
    g = _sc_gather_g(relative_embeddings)
    flat = _tc_fill(g, relative_embeddings)
    return flat.reshape(LQ, LK, D_MODEL)

# --- scband reference (transcript-rebuilt; emitter-appended) ---
"""Pipeline reference for scband-relative-positional-encoding-29961691857658 (READ-ONLY COPY).

The authoritative reference and input builder live on the scoring server;
editing this copy changes nothing except your own understanding.
"""

import jax, jax.numpy as jnp
import numpy as np

D_MODEL = 768
MAX_REL = 127


def setup_inputs(seed: int = 0) -> dict:
    key = jax.random.key(seed)
    vocab = 2 * MAX_REL + 1
    # xavier_uniform init for nn.Embedding weight of shape (vocab, d_model)
    limit = math_sqrt = (6.0 / (vocab + D_MODEL)) ** 0.5
    table = jax.random.uniform(key, (vocab, D_MODEL), minval=-limit, maxval=limit, dtype=jnp.float32)
    return {"length_q": 32, "length_k": 4096, "relative_embeddings": table}


def reference(length_q, length_k, relative_embeddings):
    # q_pos: (Lq,), k_pos: (Lk,)
    q_pos = jnp.arange(32) + 0 * length_q
    k_pos = jnp.arange(4096) + 0 * length_k
    relative_positions = q_pos[:, None] - k_pos[None, :]
    relative_positions = jnp.clip(relative_positions, -MAX_REL, MAX_REL)
    relative_positions = relative_positions + MAX_REL
    # embedding lookup -> (Lq, Lk, d_model)
    relative_bias = jnp.take(relative_embeddings, relative_positions, axis=0)
    return relative_bias

if __name__ == "__main__":
    import jax
    _d = setup_inputs()
    print(jax.jit(kernel)(*tuple(_d.values())))

</pallas_src>

<mosaic_0001>
#map = affine_map<(d0, d1) -> (0, 0)>
module attributes {stable_mosaic.version = 14 : i64} {
  func.func @_sc_g_body(%arg0: i32, %arg1: i32, %arg2: memref<255x768xf32, #tpu.memory_space<hbm>>, %arg3: memref<192x768xf32, #tpu.memory_space<hbm>>, %arg4: memref<16xi32, #tpu.memory_space<vmem>>, %arg5: memref<16x768xf32, #tpu.memory_space<vmem>>, %arg6: memref<!tpu.dma_semaphore, #tpu.memory_space<semaphore_mem>>) attributes {dimension_semantics = [#tpu.dimension_semantics<core_parallel>, #tpu.dimension_semantics<subcore_parallel>], iteration_bounds = array<i64: 2, 16>, scalar_prefetch = 0 : i64, scratch_operands = 3 : i64, tpu.core_type = #tpu.core_type<sc_vector_subcore>, window_params = [{transform_indices = #map}, {transform_indices = #map}]} {
    %mul3A = arith.constant 2 : i32
    %mul3A_0 = arith.muli %arg1, %mul3A : i32
    %add3A = arith.addi %mul3A_0, %arg0 : i32
    %mul3A_1 = arith.constant 8 : i32
    %mul3A_2 = arith.muli %mul3A_1, %add3A : i32
    %min3A = arith.constant 176 : i32
    %min3A_3 = arith.minsi %mul3A_2, %min3A : i32
    %iota3A = tpu.iota {dimensions = array<i32: 0>} : vector<16xi32>
    %add3A_4 = vector.broadcast %min3A_3 : i32 to vector<16xi32>
    %add3A_5 = arith.addi %iota3A, %add3A_4 : vector<16xi32>
    %sub3A = arith.constant 158 : i32
    %sub3A_6 = vector.broadcast %sub3A : i32 to vector<16xi32>
    %sub3A_7 = arith.subi %sub3A_6, %add3A_5 : vector<16xi32>
    %max3A = arith.constant 0 : i32
    %max3A_8 = vector.broadcast %max3A : i32 to vector<16xi32>
    %max3A_9 = arith.maxsi %sub3A_7, %max3A_8 : vector<16xi32>
    %swap3A = arith.constant 0 : index
    %swap3A_10 = tpu.vector_load %arg4[%swap3A] {strides = array<i32>} : memref<16xi32, #tpu.memory_space<vmem>>, vector<16xi32>,
    %swap3A_11 = vector.shape_cast %swap3A_10 : vector<16xi32> to vector<16xi32>
    %swap3A_12 = vector.shape_cast %max3A_9 : vector<16xi32> to vector<16xi32>
    tpu.vector_store %arg4[%swap3A], %swap3A_12 {strides = array<i32>} : memref<16xi32, #tpu.memory_space<vmem>>, vector<16xi32>,
    %dma_start3A = arith.constant 0 : i32
    %dma_start3A_13 = arith.constant 0 : i32
    %dma_start3A_14 = tpu.memref_slice %arg2[%dma_start3A, %dma_start3A_13] : memref<255x768xf32, #tpu.memory_space<hbm>> -> memref<255x768xf32, #tpu.memory_space<hbm>>
    tpu.enqueue_indirect_dma source(%dma_start3A_14 : memref<255x768xf32, #tpu.memory_space<hbm>>) target(%arg5 : memref<16x768xf32, #tpu.memory_space<vmem>>) offsets(%arg4 : memref<16xi32, #tpu.memory_space<vmem>>) semaphore(%arg6 : memref<!tpu.dma_semaphore, #tpu.memory_space<semaphore_mem>>)
    %dma_wait3A = arith.constant 0 : i32
    %dma_wait3A_15 = arith.constant 0 : i32
    %dma_wait3A_16 = tpu.memref_slice %arg2[%dma_wait3A, %dma_wait3A_15] : memref<255x768xf32, #tpu.memory_space<hbm>> -> memref<255x768xf32, #tpu.memory_space<hbm>>
    tpu.wait_indirect_dma semaphore(%arg6 : memref<!tpu.dma_semaphore, #tpu.memory_space<semaphore_mem>>) src(%dma_wait3A_16 : memref<255x768xf32, #tpu.memory_space<hbm>>) dst(%arg5 : memref<16x768xf32, #tpu.memory_space<vmem>>)
    "tpu.region"() ({
      %run_scoped3A = tpu.sem_alloc : memref<!tpu.dma_semaphore, #tpu.memory_space<semaphore_mem>>
      %dma_start3A_17 = arith.constant 0 : i32
      %dma_start3A_18 = tpu.memref_slice %arg3[%min3A_3, %dma_start3A_17] : memref<192x768xf32, #tpu.memory_space<hbm>> -> memref<16x768xf32, #tpu.memory_space<hbm>>
      %dma_start3A_19 = arith.constant 0 : i32
      %dma_start3A_20 = tpu.memref_slice %arg3[%min3A_3, %dma_start3A_19] : memref<192x768xf32, #tpu.memory_space<hbm>> -> memref<16x768xf32, #tpu.memory_space<hbm>>
      tpu.enqueue_dma source(%arg5 : memref<16x768xf32, #tpu.memory_space<vmem>>) target(%dma_start3A_20 : memref<16x768xf32, #tpu.memory_space<hbm>>) target_semaphore(%run_scoped3A : memref<!tpu.dma_semaphore, #tpu.memory_space<semaphore_mem>>)
      %dma_wait3A_21 = arith.constant 0 : i32
      %dma_wait3A_22 = tpu.memref_slice %arg3[%min3A_3, %dma_wait3A_21] : memref<192x768xf32, #tpu.memory_space<hbm>> -> memref<16x768xf32, #tpu.memory_space<hbm>>
      %dma_wait3A_23 = arith.constant 0 : i32
      %dma_wait3A_24 = tpu.memref_slice %arg3[%min3A_3, %dma_wait3A_23] : memref<192x768xf32, #tpu.memory_space<hbm>> -> memref<16x768xf32, #tpu.memory_space<hbm>>
      tpu.wait_dma2 semaphore(%run_scoped3A : memref<!tpu.dma_semaphore, #tpu.memory_space<semaphore_mem>>) src(%arg5 : memref<16x768xf32, #tpu.memory_space<vmem>>) dst(%dma_wait3A_24 : memref<16x768xf32, #tpu.memory_space<hbm>>)
      tpu.yield
    }) : () -> ()
    return
  }
}

module attributes {stable_mosaic.version = 14 : i64} {
  func.func @_tc_fill_body(%arg0: i32, %arg1: memref<192x768xf32, #tpu.memory_space<vmem>>, %arg2: memref<8x768xf32, #tpu.memory_space<vmem>>, %arg3: memref<131072x768xf32, #tpu.memory_space<any>>, %arg4: memref<5120x768xf32, #tpu.memory_space<vmem>>, %arg5: memref<3936x768xf32, #tpu.memory_space<vmem>>, %arg6: memref<!tpu.dma_semaphore, #tpu.memory_space<semaphore_mem>>, %arg7: memref<!tpu.dma_semaphore, #tpu.memory_space<semaphore_mem>>) attributes {dimension_semantics = [#tpu.dimension_semantics<arbitrary>], iteration_bounds = array<i64: 1>, scalar_prefetch = 0 : i64, scratch_operands = 4 : i64, tpu.core_type = #tpu.core_type<tc>, window_params = [{pipeline_mode = #tpu.pipeline_mode<synchronous>, transform_indices = @transform_0, window_bounds = array<i64: 192, 768>}, {transform_indices = @transform_1, window_bounds = array<i64: 8, 768>}, {}]} {
    %get3A = arith.constant 0 : index
    %get3A_0 = arith.constant 0 : index
    %get3A_1 = vector.load %arg2[%get3A, %get3A_0] : memref<8x768xf32, #tpu.memory_space<vmem>>, vector<1x768xf32>
    %broadcast_in_dim3A = vector.shape_cast %get3A_1 : vector<1x768xf32> to vector<1x768xf32>
    %broadcast_in_dim3A_2 = vector.broadcast %broadcast_in_dim3A : vector<1x768xf32> to vector<3936x768xf32>
    %swap3A = arith.constant 0 : index
    %swap3A_3 = arith.constant 0 : index
    %swap3A_4 = vector.load %arg5[%swap3A, %swap3A_3] : memref<3936x768xf32, #tpu.memory_space<vmem>>, vector<3936x768xf32>
    tpu.vector_store %arg5[%swap3A, %swap3A_3], %broadcast_in_dim3A_2 {strides = array<i32>} : memref<3936x768xf32, #tpu.memory_space<vmem>>, vector<3936x768xf32>,
    %dma_start3A = arith.constant 160 : i32
    %dma_start3A_5 = arith.constant 0 : i32
    %dma_start3A_6 = tpu.memref_slice %arg3[%dma_start3A, %dma_start3A_5] : memref<131072x768xf32, #tpu.memory_space<any>> -> memref<1968x768xf32, #tpu.memory_space<any>>
    %dma_start3A_7 = arith.constant 0 : i32
    %dma_start3A_8 = arith.constant 0 : i32
    %dma_start3A_9 = tpu.memref_slice %arg5[%dma_start3A_7, %dma_start3A_8] : memref<3936x768xf32, #tpu.memory_space<vmem>> -> memref<1968x768xf32, #tpu.memory_space<vmem>>
    tpu.enqueue_dma source(%dma_start3A_9 : memref<1968x768xf32, #tpu.memory_space<vmem>>) target(%dma_start3A_6 : memref<1968x768xf32, #tpu.memory_space<any>>) target_semaphore(%arg7 : memref<!tpu.dma_semaphore, #tpu.memory_space<semaphore_mem>>)
    %dma_start3A_10 = arith.constant 2128 : i32
    %dma_start3A_11 = arith.constant 0 : i32
    %dma_start3A_12 = tpu.memref_slice %arg3[%dma_start3A_10, %dma_start3A_11] : memref<131072x768xf32, #tpu.memory_space<any>> -> memref<1968x768xf32, #tpu.memory_space<any>>
    %dma_start3A_13 = arith.constant 1968 : i32
    %dma_start3A_14 = arith.constant 0 : i32
    %dma_start3A_15 = tpu.memref_slice %arg5[%dma_start3A_13, %dma_start3A_14] : memref<3936x768xf32, #tpu.memory_space<vmem>> -> memref<1968x768xf32, #tpu.memory_space<vmem>>
    tpu.enqueue_dma source(%dma_start3A_15 : memref<1968x768xf32, #tpu.memory_space<vmem>>) target(%dma_start3A_12 : memref<1968x768xf32, #tpu.memory_space<any>>) target_semaphore(%arg6 : memref<!tpu.dma_semaphore, #tpu.memory_space<semaphore_mem>>)
    %dma_start3A_16 = arith.constant 4256 : i32
    %dma_start3A_17 = arith.constant 0 : i32
    %dma_start3A_18 = tpu.memref_slice %arg3[%dma_start3A_16, %dma_start3A_17] : memref<131072x768xf32, #tpu.memory_space<any>> -> memref<1968x768xf32, #tpu.memory_space<any>>
    %dma_start3A_19 = arith.constant 0 : i32
    %dma_start3A_20 = arith.constant 0 : i32
    %dma_start3A_21 = tpu.memref_slice %arg5[%dma_start3A_19, %dma_start3A_20] : memref<3936x768xf32, #tpu.memory_space<vmem>> -> memref<1968x768xf32, #tpu.memory_space<vmem>>
    tpu.enqueue_dma source(%dma_start3A_21 : memref<1968x768xf32, #tpu.memory_space<vmem>>) target(%dma_start3A_18 : memref<1968x768xf32, #tpu.memory_space<any>>) target_semaphore(%arg7 : memref<!tpu.dma_semaphore, #tpu.memory_space<semaphore_mem>>)
    %dma_start3A_22 = arith.constant 6224 : i32
    %dma_start3A_23 = arith.constant 0 : i32
    %dma_start3A_24 = tpu.memref_slice %arg3[%dma_start3A_22, %dma_start3A_23] : memref<131072x768xf32, #tpu.memory_space<any>> -> memref<1968x768xf32, #tpu.memory_space<any>>
    %dma_start3A_25 = arith.constant 1968 : i32
    %dma_start3A_26 = arith.constant 0 : i32
    %dma_start3A_27 = tpu.memref_slice %arg5[%dma_start3A_25, %dma_start3A_26] : memref<3936x768xf32, #tpu.memory_space<vmem>> -> memref<1968x768xf32, #tpu.memory_space<vmem>>
    tpu.enqueue_dma source(%dma_start3A_27 : memref<1968x768xf32, #tpu.memory_space<vmem>>) target(%dma_start3A_24 : memref<1968x768xf32, #tpu.memory_space<any>>) target_semaphore(%arg6 : memref<!tpu.dma_semaphore, #tpu.memory_space<semaphore_mem>>)
    %dma_start3A_28 = arith.constant 8352 : i32
    %dma_start3A_29 = arith.constant 0 : i32
    %dma_start3A_30 = tpu.memref_slice %arg3[%dma_start3A_28, %dma_start3A_29] : memref<131072x768xf32, #tpu.memory_space<any>> -> memref<1968x768xf32, #tpu.memory_space<any>>
    %dma_start3A_31 = arith.constant 0 : i32
    %dma_start3A_32 = arith.constant 0 : i32
    %dma_start3A_33 = tpu.memref_slice %arg5[%dma_start3A_31, %dma_start3A_32] : memref<3936x768xf32, #tpu.memory_space<vmem>> -> memref<1968x768xf32, #tpu.memory_space<vmem>>
    tpu.enqueue_dma source(%dma_start3A_33 : memref<1968x768xf32, #tpu.memory_space<vmem>>) target(%dma_start3A_30 : memref<1968x768xf32, #tpu.memory_space<any>>) target_semaphore(%arg7 : memref<!tpu.dma_semaphore, #tpu.memory_space<semaphore_mem>>)
    %dma_start3A_34 = arith.constant 10320 : i32
    %dma_start3A_35 = arith.constant 0 : i32
    %dma_start3A_36 = tpu.memref_slice %arg3[%dma_start3A_34, %dma_start3A_35] : memref<131072x768xf32, #tpu.memory_space<any>> -> memref<1968x768xf32, #tpu.memory_space<any>>
    %dma_start3A_37 = arith.constant 1968 : i32
    %dma_start3A_38 = arith.constant 0 : i32
    %dma_start3A_39 = tpu.memref_slice %arg5[%dma_start3A_37, %dma_start3A_38] : memref<3936x768xf32, #tpu.memory_space<vmem>> -> memref<1968x768xf32, #tpu.memory_space<vmem>>
    tpu.enqueue_dma source(%dma_start3A_39 : memref<1968x768xf32, #tpu.memory_space<vmem>>) target(%dma_start3A_36 : memref<1968x768xf32, #tpu.memory_space<any>>) target_semaphore(%arg6 : memref<!tpu.dma_semaphore, #tpu.memory_space<semaphore_mem>>)
    %dma_start3A_40 = arith.constant 12448 : i32
    %dma_start3A_41 = arith.constant 0 : i32
    %dma_start3A_42 = tpu.memref_slice %arg3[%dma_start3A_40, %dma_start3A_41] : memref<131072x768xf32, #tpu.memory_space<any>> -> memref<1968x768xf32, #tpu.memory_space<any>>
    %dma_start3A_43 = arith.constant 0 : i32
    %dma_start3A_44 = arith.constant 0 : i32
    %dma_start3A_45 = tpu.memref_slice %arg5[%dma_start3A_43, %dma_start3A_44] : memref<3936x768xf32, #tpu.memory_space<vmem>> -> memref<1968x768xf32, #tpu.memory_space<vmem>>
    tpu.enqueue_dma source(%dma_start3A_45 : memref<1968x768xf32, #tpu.memory_space<vmem>>) target(%dma_start3A_42 : memref<1968x768xf32, #tpu.memory_space<any>>) target_semaphore(%arg7 : memref<!tpu.dma_semaphore, #tpu.memory_space<semaphore_mem>>)
    %dma_start3A_46 = arith.constant 14416 : i32
    %dma_start3A_47 = arith.constant 0 : i32
    %dma_start3A_48 = tpu.memref_slice %arg3[%dma_start3A_46, %dma_start3A_47] : memref<131072x768xf32, #tpu.memory_space<any>> -> memref<1968x768xf32, #tpu.memory_space<any>>
    %dma_start3A_49 = arith.constant 1968 : i32
    %dma_start3A_50 = arith.constant 0 : i32
    %dma_start3A_51 = tpu.memref_slice %arg5[%dma_start3A_49, %dma_start3A_50] : memref<3936x768xf32, #tpu.memory_space<vmem>> -> memref<1968x768xf32, #tpu.memory_space<vmem>>
    tpu.enqueue_dma source(%dma_start3A_51 : memref<1968x768xf32, #tpu.memory_space<vmem>>) target(%dma_start3A_48 : memref<1968x768xf32, #tpu.memory_space<any>>) target_semaphore(%arg6 : memref<!tpu.dma_semaphore, #tpu.memory_space<semaphore_mem>>)
    %dma_start3A_52 = arith.constant 16544 : i32
    %dma_start3A_53 = arith.constant 0 : i32
    %dma_start3A_54 = tpu.memref_slice %arg3[%dma_start3A_52, %dma_start3A_53] : memref<131072x768xf32, #tpu.memory_space<any>> -> memref<1968x768xf32, #tpu.memory_space<any>>
    %dma_start3A_55 = arith.constant 0 : i32
    %dma_start3A_56 = arith.constant 0 : i32
    %dma_start3A_57 = tpu.memref_slice %arg5[%dma_start3A_55, %dma_start3A_56] : memref<3936x768xf32, #tpu.memory_space<vmem>> -> memref<1968x768xf32, #tpu.memory_space<vmem>>
    tpu.enqueue_dma source(%dma_start3A_57 : memref<1968x768xf32, #tpu.memory_space<vmem>>) target(%dma_start3A_54 : memref<1968x768xf32, #tpu.memory_space<any>>) target_semaphore(%arg7 : memref<!tpu.dma_semaphore, #tpu.memory_space<semaphore_mem>>)
    %dma_start3A_58 = arith.constant 18512 : i32
    %dma_start3A_59 = arith.constant 0 : i32
    %dma_start3A_60 = tpu.memref_slice %arg3[%dma_start3A_58, %dma_start3A_59] : memref<131072x768xf32, #tpu.memory_space<any>> -> memref<1968x768xf32, #tpu.memory_space<any>>
    %dma_start3A_61 = arith.constant 1968 : i32
    %dma_start3A_62 = arith.constant 0 : i32
    %dma_start3A_63 = tpu.memref_slice %arg5[%dma_start3A_61, %dma_start3A_62] : memref<3936x768xf32, #tpu.memory_space<vmem>> -> memref<1968x768xf32, #tpu.memory_space<vmem>>
    tpu.enqueue_dma source(%dma_start3A_63 : memref<1968x768xf32, #tpu.memory_space<vmem>>) target(%dma_start3A_60 : memref<1968x768xf32, #tpu.memory_space<any>>) target_semaphore(%arg6 : memref<!tpu.dma_semaphore, #tpu.memory_space<semaphore_mem>>)
    %dma_start3A_64 = arith.constant 20640 : i32
    %dma_start3A_65 = arith.constant 0 : i32
    %dma_start3A_66 = tpu.memref_slice %arg3[%dma_start3A_64, %dma_start3A_65] : memref<131072x768xf32, #tpu.memory_space<any>> -> memref<1968x768xf32, #tpu.memory_space<any>>
    %dma_start3A_67 = arith.constant 0 : i32
    %dma_start3A_68 = arith.constant 0 : i32
    %dma_start3A_69 = tpu.memref_slice %arg5[%dma_start3A_67, %dma_start3A_68] : memref<3936x768xf32, #tpu.memory_space<vmem>> -> memref<1968x768xf32, #tpu.memory_space<vmem>>
    tpu.enqueue_dma source(%dma_start3A_69 : memref<1968x768xf32, #tpu.memory_space<vmem>>) target(%dma_start3A_66 : memref<1968x768xf32, #tpu.memory_space<any>>) target_semaphore(%arg7 : memref<!tpu.dma_semaphore, #tpu.memory_space<semaphore_mem>>)
    %dma_start3A_70 = arith.constant 22608 : i32
    %dma_start3A_71 = arith.constant 0 : i32
    %dma_start3A_72 = tpu.memref_slice %arg3[%dma_start3A_70, %dma_start3A_71] : memref<131072x768xf32, #tpu.memory_space<any>> -> memref<1968x768xf32, #tpu.memory_space<any>>
    %dma_start3A_73 = arith.constant 1968 : i32
    %dma_start3A_74 = arith.constant 0 : i32
    %dma_start3A_75 = tpu.memref_slice %arg5[%dma_start3A_73, %dma_start3A_74] : memref<3936x768xf32, #tpu.memory_space<vmem>> -> memref<1968x768xf32, #tpu.memory_space<vmem>>
    tpu.enqueue_dma source(%dma_start3A_75 : memref<1968x768xf32, #tpu.memory_space<vmem>>) target(%dma_start3A_72 : memref<1968x768xf32, #tpu.memory_space<any>>) target_semaphore(%arg6 : memref<!tpu.dma_semaphore, #tpu.memory_space<semaphore_mem>>)
    %dma_start3A_76 = arith.constant 24736 : i32
    %dma_start3A_77 = arith.constant 0 : i32
    %dma_start3A_78 = tpu.memref_slice %arg3[%dma_start3A_76, %dma_start3A_77] : memref<131072x768xf32, #tpu.memory_space<any>> -> memref<1968x768xf32, #tpu.memory_space<any>>
    %dma_start3A_79 = arith.constant 0 : i32
    %dma_start3A_80 = arith.constant 0 : i32
    %dma_start3A_81 = tpu.memref_slice %arg5[%dma_start3A_79, %dma_start3A_80] : memref<3936x768xf32, #tpu.memory_space<vmem>> -> memref<1968x768xf32, #tpu.memory_space<vmem>>
    tpu.enqueue_dma source(%dma_start3A_81 : memref<1968x768xf32, #tpu.memory_space<vmem>>) target(%dma_start3A_78 : memref<1968x768xf32, #tpu.memory_space<any>>) target_semaphore(%arg7 : memref<!tpu.dma_semaphore, #tpu.memory_space<semaphore_mem>>)
    %dma_start3A_82 = arith.constant 26704 : i32
    %dma_start3A_83 = arith.constant 0 : i32
    %dma_start3A_84 = tpu.memref_slice %arg3[%dma_start3A_82, %dma_start3A_83] : memref<131072x768xf32, #tpu.memory_space<any>> -> memref<1968x768xf32, #tpu.memory_space<any>>
    %dma_start3A_85 = arith.constant 1968 : i32
    %dma_start3A_86 = arith.constant 0 : i32
    %dma_start3A_87 = tpu.memref_slice %arg5[%dma_start3A_85, %dma_start3A_86] : memref<3936x768xf32, #tpu.memory_space<vmem>> -> memref<1968x768xf32, #tpu.memory_space<vmem>>
    tpu.enqueue_dma source(%dma_start3A_87 : memref<1968x768xf32, #tpu.memory_space<vmem>>) target(%dma_start3A_84 : memref<1968x768xf32, #tpu.memory_space<any>>) target_semaphore(%arg6 : memref<!tpu.dma_semaphore, #tpu.memory_space<semaphore_mem>>)
    %dma_start3A_88 = arith.constant 28832 : i32
    %dma_start3A_89 = arith.constant 0 : i32
    %dma_start3A_90 = tpu.memref_slice %arg3[%dma_start3A_88, %dma_start3A_89] : memref<131072x768xf32, #tpu.memory_space<any>> -> memref<1968x768xf32, #tpu.memory_space<any>>
    %dma_start3A_91 = arith.constant 0 : i32
    %dma_start3A_92 = arith.constant 0 : i32
    %dma_start3A_93 = tpu.memref_slice %arg5[%dma_start3A_91, %dma_start3A_92] : memref<3936x768xf32, #tpu.memory_space<vmem>> -> memref<1968x768xf32, #tpu.memory_space<vmem>>
    tpu.enqueue_dma source(%dma_start3A_93 : memref<1968x768xf32, #tpu.memory_space<vmem>>) target(%dma_start3A_90 : memref<1968x768xf32, #tpu.memory_space<any>>) target_semaphore(%arg7 : memref<!tpu.dma_semaphore, #tpu.memory_space<semaphore_mem>>)
    %dma_start3A_94 = arith.constant 30800 : i32
    %dma_start3A_95 = arith.constant 0 : i32
    %dma_start3A_96 = tpu.memref_slice %arg3[%dma_start3A_94, %dma_start3A_95] : memref<131072x768xf32, #tpu.memory_space<any>> -> memref<1968x768xf32, #tpu.memory_space<any>>
    %dma_start3A_97 = arith.constant 1968 : i32
    %dma_start3A_98 = arith.constant 0 : i32
    %dma_start3A_99 = tpu.memref_slice %arg5[%dma_start3A_97, %dma_start3A_98] : memref<3936x768xf32, #tpu.memory_space<vmem>> -> memref<1968x768xf32, #tpu.memory_space<vmem>>
    tpu.enqueue_dma source(%dma_start3A_99 : memref<1968x768xf32, #tpu.memory_space<vmem>>) target(%dma_start3A_96 : memref<1968x768xf32, #tpu.memory_space<any>>) target_semaphore(%arg6 : memref<!tpu.dma_semaphore, #tpu.memory_space<semaphore_mem>>)
    %dma_start3A_100 = arith.constant 32928 : i32
    %dma_start3A_101 = arith.constant 0 : i32
    %dma_start3A_102 = tpu.memref_slice %arg3[%dma_start3A_100, %dma_start3A_101] : memref<131072x768xf32, #tpu.memory_space<any>> -> memref<1968x768xf32, #tpu.memory_space<any>>
    %dma_start3A_103 = arith.constant 0 : i32
    %dma_start3A_104 = arith.constant 0 : i32
    %dma_start3A_105 = tpu.memref_slice %arg5[%dma_start3A_103, %dma_start3A_104] : memref<3936x768xf32, #tpu.memory_space<vmem>> -> memref<1968x768xf32, #tpu.memory_space<vmem>>
    tpu.enqueue_dma source(%dma_start3A_105 : memref<1968x768xf32, #tpu.memory_space<vmem>>) target(%dma_start3A_102 : memref<1968x768xf32, #tpu.memory_space<any>>) target_semaphore(%arg7 : memref<!tpu.dma_semaphore, #tpu.memory_space<semaphore_mem>>)
    %dma_start3A_106 = arith.constant 34896 : i32
    %dma_start3A_107 = arith.constant 0 : i32
    %dma_start3A_108 = tpu.memref_slice %arg3[%dma_start3A_106, %dma_start3A_107] : memref<131072x768xf32, #tpu.memory_space<any>> -> memref<1968x768xf32, #tpu.memory_space<any>>
    %dma_start3A_109 = arith.constant 1968 : i32
    %dma_start3A_110 = arith.constant 0 : i32
    %dma_start3A_111 = tpu.memref_slice %arg5[%dma_start3A_109, %dma_start3A_110] : memref<3936x768xf32, #tpu.memory_space<vmem>> -> memref<1968x768xf32, #tpu.memory_space<vmem>>
    tpu.enqueue_dma source(%dma_start3A_111 : memref<1968x768xf32, #tpu.memory_space<vmem>>) target(%dma_start3A_108 : memref<1968x768xf32, #tpu.memory_space<any>>) target_semaphore(%arg6 : memref<!tpu.dma_semaphore, #tpu.memory_space<semaphore_mem>>)
    %dma_start3A_112 = arith.constant 37024 : i32
    %dma_start3A_113 = arith.constant 0 : i32
    %dma_start3A_114 = tpu.memref_slice %arg3[%dma_start3A_112, %dma_start3A_113] : memref<131072x768xf32, #tpu.memory_space<any>> -> memref<1968x768xf32, #tpu.memory_space<any>>
    %dma_start3A_115 = arith.constant 0 : i32
    %dma_start3A_116 = arith.constant 0 : i32
    %dma_start3A_117 = tpu.memref_slice %arg5[%dma_start3A_115, %dma_start3A_116] : memref<3936x768xf32, #tpu.memory_space<vmem>> -> memref<1968x768xf32, #tpu.memory_space<vmem>>
    tpu.enqueue_dma source(%dma_start3A_117 : memref<1968x768xf32, #tpu.memory_space<vmem>>) target(%dma_start3A_114 : memref<1968x768xf32, #tpu.memory_space<any>>) target_semaphore(%arg7 : memref<!tpu.dma_semaphore, #tpu.memory_space<semaphore_mem>>)
    %dma_start3A_118 = arith.constant 38992 : i32
    %dma_start3A_119 = arith.constant 0 : i32
    %dma_start3A_120 = tpu.memref_slice %arg3[%dma_start3A_118, %dma_start3A_119] : memref<131072x768xf32, #tpu.memory_space<any>> -> memref<1968x768xf32, #tpu.memory_space<any>>
    %dma_start3A_121 = arith.constant 1968 : i32
    %dma_start3A_122 = arith.constant 0 : i32
    %dma_start3A_123 = tpu.memref_slice %arg5[%dma_start3A_121, %dma_start3A_122] : memref<3936x768xf32, #tpu.memory_space<vmem>> -> memref<1968x768xf32, #tpu.memory_space<vmem>>
    tpu.enqueue_dma source(%dma_start3A_123 : memref<1968x768xf32, #tpu.memory_space<vmem>>) target(%dma_start3A_120 : memref<1968x768xf32, #tpu.memory_space<any>>) target_semaphore(%arg6 : memref<!tpu.dma_semaphore, #tpu.memory_space<semaphore_mem>>)
    %dma_start3A_124 = arith.constant 41120 : i32
    %dma_start3A_125 = arith.constant 0 : i32
    %dma_start3A_126 = tpu.memref_slice %arg3[%dma_start3A_124, %dma_start3A_125] : memref<131072x768xf32, #tpu.memory_space<any>> -> memref<1968x768xf32, #tpu.memory_space<any>>
    %dma_start3A_127 = arith.constant 0 : i32
    %dma_start3A_128 = arith.constant 0 : i32
    %dma_start3A_129 = tpu.memref_slice %arg5[%dma_start3A_127, %dma_start3A_128] : memref<3936x768xf32, #tpu.memory_space<vmem>> -> memref<1968x768xf32, #tpu.memory_space<vmem>>
    tpu.enqueue_dma source(%dma_start3A_129 : memref<1968x768xf32, #tpu.memory_space<vmem>>) target(%dma_start3A_126 : memref<1968x768xf32, #tpu.memory_space<any>>) target_semaphore(%arg7 : memref<!tpu.dma_semaphore, #tpu.memory_space<semaphore_mem>>)
    %dma_start3A_130 = arith.constant 43088 : i32
    %dma_start3A_131 = arith.constant 0 : i32
    %dma_start3A_132 = tpu.memref_slice %arg3[%dma_start3A_130, %dma_start3A_131] : memref<131072x768xf32, #tpu.memory_space<any>> -> memref<1968x768xf32, #tpu.memory_space<any>>
    %dma_start3A_133 = arith.constant 1968 : i32
    %dma_start3A_134 = arith.constant 0 : i32
    %dma_start3A_135 = tpu.memref_slice %arg5[%dma_start3A_133, %dma_start3A_134] : memref<3936x768xf32, #tpu.memory_space<vmem>> -> memref<1968x768xf32, #tpu.memory_space<vmem>>
    tpu.enqueue_dma source(%dma_start3A_135 : memref<1968x768xf32, #tpu.memory_space<vmem>>) target(%dma_start3A_132 : memref<1968x768xf32, #tpu.memory_space<any>>) target_semaphore(%arg6 : memref<!tpu.dma_semaphore, #tpu.memory_space<semaphore_mem>>)
    %dma_start3A_136 = arith.constant 45216 : i32
    %dma_start3A_137 = arith.constant 0 : i32
    %dma_start3A_138 = tpu.memref_slice %arg3[%dma_start3A_136, %dma_start3A_137] : memref<131072x768xf32, #tpu.memory_space<any>> -> memref<1968x768xf32, #tpu.memory_space<any>>
    %dma_start3A_139 = arith.constant 0 : i32
    %dma_start3A_140 = arith.constant 0 : i32
    %dma_start3A_141 = tpu.memref_slice %arg5[%dma_start3A_139, %dma_start3A_140] : memref<3936x768xf32, #tpu.memory_space<vmem>> -> memref<1968x768xf32, #tpu.memory_space<vmem>>
    tpu.enqueue_dma source(%dma_start3A_141 : memref<1968x768xf32, #tpu.memory_space<vmem>>) target(%dma_start3A_138 : memref<1968x768xf32, #tpu.memory_space<any>>) target_semaphore(%arg7 : memref<!tpu.dma_semaphore, #tpu.memory_space<semaphore_mem>>)
    %dma_start3A_142 = arith.constant 47184 : i32
    %dma_start3A_143 = arith.constant 0 : i32
    %dma_start3A_144 = tpu.memref_slice %arg3[%dma_start3A_142, %dma_start3A_143] : memref<131072x768xf32, #tpu.memory_space<any>> -> memref<1968x768xf32, #tpu.memory_space<any>>
    %dma_start3A_145 = arith.constant 1968 : i32
    %dma_start3A_146 = arith.constant 0 : i32
    %dma_start3A_147 = tpu.memref_slice %arg5[%dma_start3A_145, %dma_start3A_146] : memref<3936x768xf32, #tpu.memory_space<vmem>> -> memref<1968x768xf32, #tpu.memory_space<vmem>>
    tpu.enqueue_dma source(%dma_start3A_147 : memref<1968x768xf32, #tpu.memory_space<vmem>>) target(%dma_start3A_144 : memref<1968x768xf32, #tpu.memory_space<any>>) target_semaphore(%arg6 : memref<!tpu.dma_semaphore, #tpu.memory_space<semaphore_mem>>)
    %dma_start3A_148 = arith.constant 49312 : i32
    %dma_start3A_149 = arith.constant 0 : i32
    %dma_start3A_150 = tpu.memref_slice %arg3[%dma_start3A_148, %dma_start3A_149] : memref<131072x768xf32, #tpu.memory_space<any>> -> memref<1968x768xf32, #tpu.memory_space<any>>
    %dma_start3A_151 = arith.constant 0 : i32
    %dma_start3A_152 = arith.constant 0 : i32
    %dma_start3A_153 = tpu.memref_slice %arg5[%dma_start3A_151, %dma_start3A_152] : memref<3936x768xf32, #tpu.memory_space<vmem>> -> memref<1968x768xf32, #tpu.memory_space<vmem>>
    tpu.enqueue_dma source(%dma_start3A_153 : memref<1968x768xf32, #tpu.memory_space<vmem>>) target(%dma_start3A_150 : memref<1968x768xf32, #tpu.memory_space<any>>) target_semaphore(%arg7 : memref<!tpu.dma_semaphore, #tpu.memory_space<semaphore_mem>>)
    %dma_start3A_154 = arith.constant 51280 : i32
    %dma_start3A_155 = arith.constant 0 : i32
    %dma_start3A_156 = tpu.memref_slice %arg3[%dma_start3A_154, %dma_start3A_155] : memref<131072x768xf32, #tpu.memory_space<any>> -> memref<1968x768xf32, #tpu.memory_space<any>>
    %dma_start3A_157 = arith.constant 1968 : i32
    %dma_start3A_158 = arith.constant 0 : i32
    %dma_start3A_159 = tpu.memref_slice %arg5[%dma_start3A_157, %dma_start3A_158] : memref<3936x768xf32, #tpu.memory_space<vmem>> -> memref<1968x768xf32, #tpu.memory_space<vmem>>
    tpu.enqueue_dma source(%dma_start3A_159 : memref<1968x768xf32, #tpu.memory_space<vmem>>) target(%dma_start3A_156 : memref<1968x768xf32, #tpu.memory_space<any>>) target_semaphore(%arg6 : memref<!tpu.dma_semaphore, #tpu.memory_space<semaphore_mem>>)
    %dma_start3A_160 = arith.constant 53408 : i32
    %dma_start3A_161 = arith.constant 0 : i32
    %dma_start3A_162 = tpu.memref_slice %arg3[%dma_start3A_160, %dma_start3A_161] : memref<131072x768xf32, #tpu.memory_space<any>> -> memref<1968x768xf32, #tpu.memory_space<any>>
    %dma_start3A_163 = arith.constant 0 : i32
    %dma_start3A_164 = arith.constant 0 : i32
    %dma_start3A_165 = tpu.memref_slice %arg5[%dma_start3A_163, %dma_start3A_164] : memref<3936x768xf32, #tpu.memory_space<vmem>> -> memref<1968x768xf32, #tpu.memory_space<vmem>>
    tpu.enqueue_dma source(%dma_start3A_165 : memref<1968x768xf32, #tpu.memory_space<vmem>>) target(%dma_start3A_162 : memref<1968x768xf32, #tpu.memory_space<any>>) target_semaphore(%arg7 : memref<!tpu.dma_semaphore, #tpu.memory_space<semaphore_mem>>)
    %dma_start3A_166 = arith.constant 55376 : i32
    %dma_start3A_167 = arith.constant 0 : i32
    %dma_start3A_168 = tpu.memref_slice %arg3[%dma_start3A_166, %dma_start3A_167] : memref<131072x768xf32, #tpu.memory_space<any>> -> memref<1968x768xf32, #tpu.memory_space<any>>
    %dma_start3A_169 = arith.constant 1968 : i32
    %dma_start3A_170 = arith.constant 0 : i32
    %dma_start3A_171 = tpu.memref_slice %arg5[%dma_start3A_169, %dma_start3A_170] : memref<3936x768xf32, #tpu.memory_space<vmem>> -> memref<1968x768xf32, #tpu.memory_space<vmem>>
    tpu.enqueue_dma source(%dma_start3A_171 : memref<1968x768xf32, #tpu.memory_space<vmem>>) target(%dma_start3A_168 : memref<1968x768xf32, #tpu.memory_space<any>>) target_semaphore(%arg6 : memref<!tpu.dma_semaphore, #tpu.memory_space<semaphore_mem>>)
    %dma_start3A_172 = arith.constant 57504 : i32
    %dma_start3A_173 = arith.constant 0 : i32
    %dma_start3A_174 = tpu.memref_slice %arg3[%dma_start3A_172, %dma_start3A_173] : memref<131072x768xf32, #tpu.memory_space<any>> -> memref<1968x768xf32, #tpu.memory_space<any>>
    %dma_start3A_175 = arith.constant 0 : i32
    %dma_start3A_176 = arith.constant 0 : i32
    %dma_start3A_177 = tpu.memref_slice %arg5[%dma_start3A_175, %dma_start3A_176] : memref<3936x768xf32, #tpu.memory_space<vmem>> -> memref<1968x768xf32, #tpu.memory_space<vmem>>
    tpu.enqueue_dma source(%dma_start3A_177 : memref<1968x768xf32, #tpu.memory_space<vmem>>) target(%dma_start3A_174 : memref<1968x768xf32, #tpu.memory_space<any>>) target_semaphore(%arg7 : memref<!tpu.dma_semaphore, #tpu.memory_space<semaphore_mem>>)
    %dma_start3A_178 = arith.constant 59472 : i32
    %dma_start3A_179 = arith.constant 0 : i32
    %dma_start3A_180 = tpu.memref_slice %arg3[%dma_start3A_178, %dma_start3A_179] : memref<131072x768xf32, #tpu.memory_space<any>> -> memref<1968x768xf32, #tpu.memory_space<any>>
    %dma_start3A_181 = arith.constant 1968 : i32
    %dma_start3A_182 = arith.constant 0 : i32
    %dma_start3A_183 = tpu.memref_slice %arg5[%dma_start3A_181, %dma_start3A_182] : memref<3936x768xf32, #tpu.memory_space<vmem>> -> memref<1968x768xf32, #tpu.memory_space<vmem>>
    tpu.enqueue_dma source(%dma_start3A_183 : memref<1968x768xf32, #tpu.memory_space<vmem>>) target(%dma_start3A_180 : memref<1968x768xf32, #tpu.memory_space<any>>) target_semaphore(%arg6 : memref<!tpu.dma_semaphore, #tpu.memory_space<semaphore_mem>>)
    %dma_start3A_184 = arith.constant 61600 : i32
    %dma_start3A_185 = arith.constant 0 : i32
    %dma_start3A_186 = tpu.memref_slice %arg3[%dma_start3A_184, %dma_start3A_185] : memref<131072x768xf32, #tpu.memory_space<any>> -> memref<1968x768xf32, #tpu.memory_space<any>>
    %dma_start3A_187 = arith.constant 0 : i32
    %dma_start3A_188 = arith.constant 0 : i32
    %dma_start3A_189 = tpu.memref_slice %arg5[%dma_start3A_187, %dma_start3A_188] : memref<3936x768xf32, #tpu.memory_space<vmem>> -> memref<1968x768xf32, #tpu.memory_space<vmem>>
    tpu.enqueue_dma source(%dma_start3A_189 : memref<1968x768xf32, #tpu.memory_space<vmem>>) target(%dma_start3A_186 : memref<1968x768xf32, #tpu.memory_space<any>>) target_semaphore(%arg7 : memref<!tpu.dma_semaphore, #tpu.memory_space<semaphore_mem>>)
    %dma_start3A_190 = arith.constant 63568 : i32
    %dma_start3A_191 = arith.constant 0 : i32
    %dma_start3A_192 = tpu.memref_slice %arg3[%dma_start3A_190, %dma_start3A_191] : memref<131072x768xf32, #tpu.memory_space<any>> -> memref<1968x768xf32, #tpu.memory_space<any>>
    %dma_start3A_193 = arith.constant 1968 : i32
    %dma_start3A_194 = arith.constant 0 : i32
    %dma_start3A_195 = tpu.memref_slice %arg5[%dma_start3A_193, %dma_start3A_194] : memref<3936x768xf32, #tpu.memory_space<vmem>> -> memref<1968x768xf32, #tpu.memory_space<vmem>>
    tpu.enqueue_dma source(%dma_start3A_195 : memref<1968x768xf32, #tpu.memory_space<vmem>>) target(%dma_start3A_192 : memref<1968x768xf32, #tpu.memory_space<any>>) target_semaphore(%arg6 : memref<!tpu.dma_semaphore, #tpu.memory_space<semaphore_mem>>)
    %dma_start3A_196 = arith.constant 65696 : i32
    %dma_start3A_197 = arith.constant 0 : i32
    %dma_start3A_198 = tpu.memref_slice %arg3[%dma_start3A_196, %dma_start3A_197] : memref<131072x768xf32, #tpu.memory_space<any>> -> memref<1968x768xf32, #tpu.memory_space<any>>
    %dma_start3A_199 = arith.constant 0 : i32
    %dma_start3A_200 = arith.constant 0 : i32
    %dma_start3A_201 = tpu.memref_slice %arg5[%dma_start3A_199, %dma_start3A_200] : memref<3936x768xf32, #tpu.memory_space<vmem>> -> memref<1968x768xf32, #tpu.memory_space<vmem>>
    tpu.enqueue_dma source(%dma_start3A_201 : memref<1968x768xf32, #tpu.memory_space<vmem>>) target(%dma_start3A_198 : memref<1968x768xf32, #tpu.memory_space<any>>) target_semaphore(%arg7 : memref<!tpu.dma_semaphore, #tpu.memory_space<semaphore_mem>>)
    %dma_start3A_202 = arith.constant 67664 : i32
    %dma_start3A_203 = arith.constant 0 : i32
    %dma_start3A_204 = tpu.memref_slice %arg3[%dma_start3A_202, %dma_start3A_203] : memref<131072x768xf32, #tpu.memory_space<any>> -> memref<1968x768xf32, #tpu.memory_space<any>>
    %dma_start3A_205 = arith.constant 1968 : i32
    %dma_start3A_206 = arith.constant 0 : i32
    %dma_start3A_207 = tpu.memref_slice %arg5[%dma_start3A_205, %dma_start3A_206] : memref<3936x768xf32, #tpu.memory_space<vmem>> -> memref<1968x768xf32, #tpu.memory_space<vmem>>
    tpu.enqueue_dma source(%dma_start3A_207 : memref<1968x768xf32, #tpu.memory_space<vmem>>) target(%dma_start3A_204 : memref<1968x768xf32, #tpu.memory_space<any>>) target_semaphore(%arg6 : memref<!tpu.dma_semaphore, #tpu.memory_space<semaphore_mem>>)
    %dma_start3A_208 = arith.constant 69792 : i32
    %dma_start3A_209 = arith.constant 0 : i32
    %dma_start3A_210 = tpu.memref_slice %arg3[%dma_start3A_208, %dma_start3A_209] : memref<131072x768xf32, #tpu.memory_space<any>> -> memref<1968x768xf32, #tpu.memory_space<any>>
    %dma_start3A_211 = arith.constant 0 : i32
    %dma_start3A_212 = arith.constant 0 : i32
    %dma_start3A_213 = tpu.memref_slice %arg5[%dma_start3A_211, %dma_start3A_212] : memref<3936x768xf32, #tpu.memory_space<vmem>> -> memref<1968x768xf32, #tpu.memory_space<vmem>>
    tpu.enqueue_dma source(%dma_start3A_213 : memref<1968x768xf32, #tpu.memory_space<vmem>>) target(%dma_start3A_210 : memref<1968x768xf32, #tpu.memory_space<any>>) target_semaphore(%arg7 : memref<!tpu.dma_semaphore, #tpu.memory_space<semaphore_mem>>)
    %dma_start3A_214 = arith.constant 71760 : i32
    %dma_start3A_215 = arith.constant 0 : i32
    %dma_start3A_216 = tpu.memref_slice %arg3[%dma_start3A_214, %dma_start3A_215] : memref<131072x768xf32, #tpu.memory_space<any>> -> memref<1968x768xf32, #tpu.memory_space<any>>
    %dma_start3A_217 = arith.constant 1968 : i32
    %dma_start3A_218 = arith.constant 0 : i32
    %dma_start3A_219 = tpu.memref_slice %arg5[%dma_start3A_217, %dma_start3A_218] : memref<3936x768xf32, #tpu.memory_space<vmem>> -> memref<1968x768xf32, #tpu.memory_space<vmem>>
    tpu.enqueue_dma source(%dma_start3A_219 : memref<1968x768xf32, #tpu.memory_space<vmem>>) target(%dma_start3A_216 : memref<1968x768xf32, #tpu.memory_space<any>>) target_semaphore(%arg6 : memref<!tpu.dma_semaphore, #tpu.memory_space<semaphore_mem>>)
    %dma_start3A_220 = arith.constant 73888 : i32
    %dma_start3A_221 = arith.constant 0 : i32
    %dma_start3A_222 = tpu.memref_slice %arg3[%dma_start3A_220, %dma_start3A_221] : memref<131072x768xf32, #tpu.memory_space<any>> -> memref<1968x768xf32, #tpu.memory_space<any>>
    %dma_start3A_223 = arith.constant 0 : i32
    %dma_start3A_224 = arith.constant 0 : i32
    %dma_start3A_225 = tpu.memref_slice %arg5[%dma_start3A_223, %dma_start3A_224] : memref<3936x768xf32, #tpu.memory_space<vmem>> -> memref<1968x768xf32, #tpu.memory_space<vmem>>
    tpu.enqueue_dma source(%dma_start3A_225 : memref<1968x768xf32, #tpu.memory_space<vmem>>) target(%dma_start3A_222 : memref<1968x768xf32, #tpu.memory_space<any>>) target_semaphore(%arg7 : memref<!tpu.dma_semaphore, #tpu.memory_space<semaphore_mem>>)
    %dma_start3A_226 = arith.constant 75856 : i32
    %dma_start3A_227 = arith.constant 0 : i32
    %dma_start3A_228 = tpu.memref_slice %arg3[%dma_start3A_226, %dma_start3A_227] : memref<131072x768xf32, #tpu.memory_space<any>> -> memref<1968x768xf32, #tpu.memory_space<any>>
    %dma_start3A_229 = arith.constant 1968 : i32
    %dma_start3A_230 = arith.constant 0 : i32
    %dma_start3A_231 = tpu.memref_slice %arg5[%dma_start3A_229, %dma_start3A_230] : memref<3936x768xf32, #tpu.memory_space<vmem>> -> memref<1968x768xf32, #tpu.memory_space<vmem>>
    tpu.enqueue_dma source(%dma_start3A_231 : memref<1968x768xf32, #tpu.memory_space<vmem>>) target(%dma_start3A_228 : memref<1968x768xf32, #tpu.memory_space<any>>) target_semaphore(%arg6 : memref<!tpu.dma_semaphore, #tpu.memory_space<semaphore_mem>>)
    %dma_start3A_232 = arith.constant 77984 : i32
    %dma_start3A_233 = arith.constant 0 : i32
    %dma_start3A_234 = tpu.memref_slice %arg3[%dma_start3A_232, %dma_start3A_233] : memref<131072x768xf32, #tpu.memory_space<any>> -> memref<1968x768xf32, #tpu.memory_space<any>>
    %dma_start3A_235 = arith.constant 0 : i32
    %dma_start3A_236 = arith.constant 0 : i32
    %dma_start3A_237 = tpu.memref_slice %arg5[%dma_start3A_235, %dma_start3A_236] : memref<3936x768xf32, #tpu.memory_space<vmem>> -> memref<1968x768xf32, #tpu.memory_space<vmem>>
    tpu.enqueue_dma source(%dma_start3A_237 : memref<1968x768xf32, #tpu.memory_space<vmem>>) target(%dma_start3A_234 : memref<1968x768xf32, #tpu.memory_space<any>>) target_semaphore(%arg7 : memref<!tpu.dma_semaphore, #tpu.memory_space<semaphore_mem>>)
    %dma_start3A_238 = arith.constant 79952 : i32
    %dma_start3A_239 = arith.constant 0 : i32
    %dma_start3A_240 = tpu.memref_slice %arg3[%dma_start3A_238, %dma_start3A_239] : memref<131072x768xf32, #tpu.memory_space<any>> -> memref<1968x768xf32, #tpu.memory_space<any>>
    %dma_start3A_241 = arith.constant 1968 : i32
    %dma_start3A_242 = arith.constant 0 : i32
    %dma_start3A_243 = tpu.memref_slice %arg5[%dma_start3A_241, %dma_start3A_242] : memref<3936x768xf32, #tpu.memory_space<vmem>> -> memref<1968x768xf32, #tpu.memory_space<vmem>>
    tpu.enqueue_dma source(%dma_start3A_243 : memref<1968x768xf32, #tpu.memory_space<vmem>>) target(%dma_start3A_240 : memref<1968x768xf32, #tpu.memory_space<any>>) target_semaphore(%arg6 : memref<!tpu.dma_semaphore, #tpu.memory_space<semaphore_mem>>)
    %dma_start3A_244 = arith.constant 82080 : i32
    %dma_start3A_245 = arith.constant 0 : i32
    %dma_start3A_246 = tpu.memref_slice %arg3[%dma_start3A_244, %dma_start3A_245] : memref<131072x768xf32, #tpu.memory_space<any>> -> memref<1968x768xf32, #tpu.memory_space<any>>
    %dma_start3A_247 = arith.constant 0 : i32
    %dma_start3A_248 = arith.constant 0 : i32
    %dma_start3A_249 = tpu.memref_slice %arg5[%dma_start3A_247, %dma_start3A_248] : memref<3936x768xf32, #tpu.memory_space<vmem>> -> memref<1968x768xf32, #tpu.memory_space<vmem>>
    tpu.enqueue_dma source(%dma_start3A_249 : memref<1968x768xf32, #tpu.memory_space<vmem>>) target(%dma_start3A_246 : memref<1968x768xf32, #tpu.memory_space<any>>) target_semaphore(%arg7 : memref<!tpu.dma_semaphore, #tpu.memory_space<semaphore_mem>>)
    %dma_start3A_250 = arith.constant 84048 : i32
    %dma_start3A_251 = arith.constant 0 : i32
    %dma_start3A_252 = tpu.memref_slice %arg3[%dma_start3A_250, %dma_start3A_251] : memref<131072x768xf32, #tpu.memory_space<any>> -> memref<1968x768xf32, #tpu.memory_space<any>>
    %dma_start3A_253 = arith.constant 1968 : i32
    %dma_start3A_254 = arith.constant 0 : i32
    %dma_start3A_255 = tpu.memref_slice %arg5[%dma_start3A_253, %dma_start3A_254] : memref<3936x768xf32, #tpu.memory_space<vmem>> -> memref<1968x768xf32, #tpu.memory_space<vmem>>
    tpu.enqueue_dma source(%dma_start3A_255 : memref<1968x768xf32, #tpu.memory_space<vmem>>) target(%dma_start3A_252 : memref<1968x768xf32, #tpu.memory_space<any>>) target_semaphore(%arg6 : memref<!tpu.dma_semaphore, #tpu.memory_space<semaphore_mem>>)
    %dma_start3A_256 = arith.constant 86176 : i32
    %dma_start3A_257 = arith.constant 0 : i32
    %dma_start3A_258 = tpu.memref_slice %arg3[%dma_start3A_256, %dma_start3A_257] : memref<131072x768xf32, #tpu.memory_space<any>> -> memref<1968x768xf32, #tpu.memory_space<any>>
    %dma_start3A_259 = arith.constant 0 : i32
    %dma_start3A_260 = arith.constant 0 : i32
    %dma_start3A_261 = tpu.memref_slice %arg5[%dma_start3A_259, %dma_start3A_260] : memref<3936x768xf32, #tpu.memory_space<vmem>> -> memref<1968x768xf32, #tpu.memory_space<vmem>>
    tpu.enqueue_dma source(%dma_start3A_261 : memref<1968x768xf32, #tpu.memory_space<vmem>>) target(%dma_start3A_258 : memref<1968x768xf32, #tpu.memory_space<any>>) target_semaphore(%arg7 : memref<!tpu.dma_semaphore, #tpu.memory_space<semaphore_mem>>)
    %dma_start3A_262 = arith.constant 88144 : i32
    %dma_start3A_263 = arith.constant 0 : i32
    %dma_start3A_264 = tpu.memref_slice %arg3[%dma_start3A_262, %dma_start3A_263] : memref<131072x768xf32, #tpu.memory_space<any>> -> memref<1968x768xf32, #tpu.memory_space<any>>
    %dma_start3A_265 = arith.constant 1968 : i32
    %dma_start3A_266 = arith.constant 0 : i32
    %dma_start3A_267 = tpu.memref_slice %arg5[%dma_start3A_265, %dma_start3A_266] : memref<3936x768xf32, #tpu.memory_space<vmem>> -> memref<1968x768xf32, #tpu.memory_space<vmem>>
    tpu.enqueue_dma source(%dma_start3A_267 : memref<1968x768xf32, #tpu.memory_space<vmem>>) target(%dma_start3A_264 : memref<1968x768xf32, #tpu.memory_space<any>>) target_semaphore(%arg6 : memref<!tpu.dma_semaphore, #tpu.memory_space<semaphore_mem>>)
    %dma_start3A_268 = arith.constant 90272 : i32
    %dma_start3A_269 = arith.constant 0 : i32
    %dma_start3A_270 = tpu.memref_slice %arg3[%dma_start3A_268, %dma_start3A_269] : memref<131072x768xf32, #tpu.memory_space<any>> -> memref<1968x768xf32, #tpu.memory_space<any>>
    %dma_start3A_271 = arith.constant 0 : i32
    %dma_start3A_272 = arith.constant 0 : i32
    %dma_start3A_273 = tpu.memref_slice %arg5[%dma_start3A_271, %dma_start3A_272] : memref<3936x768xf32, #tpu.memory_space<vmem>> -> memref<1968x768xf32, #tpu.memory_space<vmem>>
    tpu.enqueue_dma source(%dma_start3A_273 : memref<1968x768xf32, #tpu.memory_space<vmem>>) target(%dma_start3A_270 : memref<1968x768xf32, #tpu.memory_space<any>>) target_semaphore(%arg7 : memref<!tpu.dma_semaphore, #tpu.memory_space<semaphore_mem>>)
    %dma_start3A_274 = arith.constant 92240 : i32
    %dma_start3A_275 = arith.constant 0 : i32
    %dma_start3A_276 = tpu.memref_slice %arg3[%dma_start3A_274, %dma_start3A_275] : memref<131072x768xf32, #tpu.memory_space<any>> -> memref<1968x768xf32, #tpu.memory_space<any>>
    %dma_start3A_277 = arith.constant 1968 : i32
    %dma_start3A_278 = arith.constant 0 : i32
    %dma_start3A_279 = tpu.memref_slice %arg5[%dma_start3A_277, %dma_start3A_278] : memref<3936x768xf32, #tpu.memory_space<vmem>> -> memref<1968x768xf32, #tpu.memory_space<vmem>>
    tpu.enqueue_dma source(%dma_start3A_279 : memref<1968x768xf32, #tpu.memory_space<vmem>>) target(%dma_start3A_276 : memref<1968x768xf32, #tpu.memory_space<any>>) target_semaphore(%arg6 : memref<!tpu.dma_semaphore, #tpu.memory_space<semaphore_mem>>)
    %dma_start3A_280 = arith.constant 94368 : i32
    %dma_start3A_281 = arith.constant 0 : i32
    %dma_start3A_282 = tpu.memref_slice %arg3[%dma_start3A_280, %dma_start3A_281] : memref<131072x768xf32, #tpu.memory_space<any>> -> memref<1968x768xf32, #tpu.memory_space<any>>
    %dma_start3A_283 = arith.constant 0 : i32
    %dma_start3A_284 = arith.constant 0 : i32
    %dma_start3A_285 = tpu.memref_slice %arg5[%dma_start3A_283, %dma_start3A_284] : memref<3936x768xf32, #tpu.memory_space<vmem>> -> memref<1968x768xf32, #tpu.memory_space<vmem>>
    tpu.enqueue_dma source(%dma_start3A_285 : memref<1968x768xf32, #tpu.memory_space<vmem>>) target(%dma_start3A_282 : memref<1968x768xf32, #tpu.memory_space<any>>) target_semaphore(%arg7 : memref<!tpu.dma_semaphore, #tpu.memory_space<semaphore_mem>>)
    %dma_start3A_286 = arith.constant 96336 : i32
    %dma_start3A_287 = arith.constant 0 : i32
    %dma_start3A_288 = tpu.memref_slice %arg3[%dma_start3A_286, %dma_start3A_287] : memref<131072x768xf32, #tpu.memory_space<any>> -> memref<1968x768xf32, #tpu.memory_space<any>>
    %dma_start3A_289 = arith.constant 1968 : i32
    %dma_start3A_290 = arith.constant 0 : i32
    %dma_start3A_291 = tpu.memref_slice %arg5[%dma_start3A_289, %dma_start3A_290] : memref<3936x768xf32, #tpu.memory_space<vmem>> -> memref<1968x768xf32, #tpu.memory_space<vmem>>
    tpu.enqueue_dma source(%dma_start3A_291 : memref<1968x768xf32, #tpu.memory_space<vmem>>) target(%dma_start3A_288 : memref<1968x768xf32, #tpu.memory_space<any>>) target_semaphore(%arg6 : memref<!tpu.dma_semaphore, #tpu.memory_space<semaphore_mem>>)
    %dma_start3A_292 = arith.constant 98464 : i32
    %dma_start3A_293 = arith.constant 0 : i32
    %dma_start3A_294 = tpu.memref_slice %arg3[%dma_start3A_292, %dma_start3A_293] : memref<131072x768xf32, #tpu.memory_space<any>> -> memref<1968x768xf32, #tpu.memory_space<any>>
    %dma_start3A_295 = arith.constant 0 : i32
    %dma_start3A_296 = arith.constant 0 : i32
    %dma_start3A_297 = tpu.memref_slice %arg5[%dma_start3A_295, %dma_start3A_296] : memref<3936x768xf32, #tpu.memory_space<vmem>> -> memref<1968x768xf32, #tpu.memory_space<vmem>>
    tpu.enqueue_dma source(%dma_start3A_297 : memref<1968x768xf32, #tpu.memory_space<vmem>>) target(%dma_start3A_294 : memref<1968x768xf32, #tpu.memory_space<any>>) target_semaphore(%arg7 : memref<!tpu.dma_semaphore, #tpu.memory_space<semaphore_mem>>)
    %dma_start3A_298 = arith.constant 100432 : i32
    %dma_start3A_299 = arith.constant 0 : i32
    %dma_start3A_300 = tpu.memref_slice %arg3[%dma_start3A_298, %dma_start3A_299] : memref<131072x768xf32, #tpu.memory_space<any>> -> memref<1968x768xf32, #tpu.memory_space<any>>
    %dma_start3A_301 = arith.constant 1968 : i32
    %dma_start3A_302 = arith.constant 0 : i32
    %dma_start3A_303 = tpu.memref_slice %arg5[%dma_start3A_301, %dma_start3A_302] : memref<3936x768xf32, #tpu.memory_space<vmem>> -> memref<1968x768xf32, #tpu.memory_space<vmem>>
    tpu.enqueue_dma source(%dma_start3A_303 : memref<1968x768xf32, #tpu.memory_space<vmem>>) target(%dma_start3A_300 : memref<1968x768xf32, #tpu.memory_space<any>>) target_semaphore(%arg6 : memref<!tpu.dma_semaphore, #tpu.memory_space<semaphore_mem>>)
    %dma_start3A_304 = arith.constant 102560 : i32
    %dma_start3A_305 = arith.constant 0 : i32
    %dma_start3A_306 = tpu.memref_slice %arg3[%dma_start3A_304, %dma_start3A_305] : memref<131072x768xf32, #tpu.memory_space<any>> -> memref<1968x768xf32, #tpu.memory_space<any>>
    %dma_start3A_307 = arith.constant 0 : i32
    %dma_start3A_308 = arith.constant 0 : i32
    %dma_start3A_309 = tpu.memref_slice %arg5[%dma_start3A_307, %dma_start3A_308] : memref<3936x768xf32, #tpu.memory_space<vmem>> -> memref<1968x768xf32, #tpu.memory_space<vmem>>
    tpu.enqueue_dma source(%dma_start3A_309 : memref<1968x768xf32, #tpu.memory_space<vmem>>) target(%dma_start3A_306 : memref<1968x768xf32, #tpu.memory_space<any>>) target_semaphore(%arg7 : memref<!tpu.dma_semaphore, #tpu.memory_space<semaphore_mem>>)
    %dma_start3A_310 = arith.constant 104528 : i32
    %dma_start3A_311 = arith.constant 0 : i32
    %dma_start3A_312 = tpu.memref_slice %arg3[%dma_start3A_310, %dma_start3A_311] : memref<131072x768xf32, #tpu.memory_space<any>> -> memref<1968x768xf32, #tpu.memory_space<any>>
    %dma_start3A_313 = arith.constant 1968 : i32
    %dma_start3A_314 = arith.constant 0 : i32
    %dma_start3A_315 = tpu.memref_slice %arg5[%dma_start3A_313, %dma_start3A_314] : memref<3936x768xf32, #tpu.memory_space<vmem>> -> memref<1968x768xf32, #tpu.memory_space<vmem>>
    tpu.enqueue_dma source(%dma_start3A_315 : memref<1968x768xf32, #tpu.memory_space<vmem>>) target(%dma_start3A_312 : memref<1968x768xf32, #tpu.memory_space<any>>) target_semaphore(%arg6 : memref<!tpu.dma_semaphore, #tpu.memory_space<semaphore_mem>>)
    %dma_start3A_316 = arith.constant 106656 : i32
    %dma_start3A_317 = arith.constant 0 : i32
    %dma_start3A_318 = tpu.memref_slice %arg3[%dma_start3A_316, %dma_start3A_317] : memref<131072x768xf32, #tpu.memory_space<any>> -> memref<1968x768xf32, #tpu.memory_space<any>>
    %dma_start3A_319 = arith.constant 0 : i32
    %dma_start3A_320 = arith.constant 0 : i32
    %dma_start3A_321 = tpu.memref_slice %arg5[%dma_start3A_319, %dma_start3A_320] : memref<3936x768xf32, #tpu.memory_space<vmem>> -> memref<1968x768xf32, #tpu.memory_space<vmem>>
    tpu.enqueue_dma source(%dma_start3A_321 : memref<1968x768xf32, #tpu.memory_space<vmem>>) target(%dma_start3A_318 : memref<1968x768xf32, #tpu.memory_space<any>>) target_semaphore(%arg7 : memref<!tpu.dma_semaphore, #tpu.memory_space<semaphore_mem>>)
    %dma_start3A_322 = arith.constant 108624 : i32
    %dma_start3A_323 = arith.constant 0 : i32
    %dma_start3A_324 = tpu.memref_slice %arg3[%dma_start3A_322, %dma_start3A_323] : memref<131072x768xf32, #tpu.memory_space<any>> -> memref<1968x768xf32, #tpu.memory_space<any>>
    %dma_start3A_325 = arith.constant 1968 : i32
    %dma_start3A_326 = arith.constant 0 : i32
    %dma_start3A_327 = tpu.memref_slice %arg5[%dma_start3A_325, %dma_start3A_326] : memref<3936x768xf32, #tpu.memory_space<vmem>> -> memref<1968x768xf32, #tpu.memory_space<vmem>>
    tpu.enqueue_dma source(%dma_start3A_327 : memref<1968x768xf32, #tpu.memory_space<vmem>>) target(%dma_start3A_324 : memref<1968x768xf32, #tpu.memory_space<any>>) target_semaphore(%arg6 : memref<!tpu.dma_semaphore, #tpu.memory_space<semaphore_mem>>)
    %dma_start3A_328 = arith.constant 110752 : i32
    %dma_start3A_329 = arith.constant 0 : i32
    %dma_start3A_330 = tpu.memref_slice %arg3[%dma_start3A_328, %dma_start3A_329] : memref<131072x768xf32, #tpu.memory_space<any>> -> memref<1968x768xf32, #tpu.memory_space<any>>
    %dma_start3A_331 = arith.constant 0 : i32
    %dma_start3A_332 = arith.constant 0 : i32
    %dma_start3A_333 = tpu.memref_slice %arg5[%dma_start3A_331, %dma_start3A_332] : memref<3936x768xf32, #tpu.memory_space<vmem>> -> memref<1968x768xf32, #tpu.memory_space<vmem>>
    tpu.enqueue_dma source(%dma_start3A_333 : memref<1968x768xf32, #tpu.memory_space<vmem>>) target(%dma_start3A_330 : memref<1968x768xf32, #tpu.memory_space<any>>) target_semaphore(%arg7 : memref<!tpu.dma_semaphore, #tpu.memory_space<semaphore_mem>>)
    %dma_start3A_334 = arith.constant 112720 : i32
    %dma_start3A_335 = arith.constant 0 : i32
    %dma_start3A_336 = tpu.memref_slice %arg3[%dma_start3A_334, %dma_start3A_335] : memref<131072x768xf32, #tpu.memory_space<any>> -> memref<1968x768xf32, #tpu.memory_space<any>>
    %dma_start3A_337 = arith.constant 1968 : i32
    %dma_start3A_338 = arith.constant 0 : i32
    %dma_start3A_339 = tpu.memref_slice %arg5[%dma_start3A_337, %dma_start3A_338] : memref<3936x768xf32, #tpu.memory_space<vmem>> -> memref<1968x768xf32, #tpu.memory_space<vmem>>
    tpu.enqueue_dma source(%dma_start3A_339 : memref<1968x768xf32, #tpu.memory_space<vmem>>) target(%dma_start3A_336 : memref<1968x768xf32, #tpu.memory_space<any>>) target_semaphore(%arg6 : memref<!tpu.dma_semaphore, #tpu.memory_space<semaphore_mem>>)
    %dma_start3A_340 = arith.constant 114848 : i32
    %dma_start3A_341 = arith.constant 0 : i32
    %dma_start3A_342 = tpu.memref_slice %arg3[%dma_start3A_340, %dma_start3A_341] : memref<131072x768xf32, #tpu.memory_space<any>> -> memref<1968x768xf32, #tpu.memory_space<any>>
    %dma_start3A_343 = arith.constant 0 : i32
    %dma_start3A_344 = arith.constant 0 : i32
    %dma_start3A_345 = tpu.memref_slice %arg5[%dma_start3A_343, %dma_start3A_344] : memref<3936x768xf32, #tpu.memory_space<vmem>> -> memref<1968x768xf32, #tpu.memory_space<vmem>>
    tpu.enqueue_dma source(%dma_start3A_345 : memref<1968x768xf32, #tpu.memory_space<vmem>>) target(%dma_start3A_342 : memref<1968x768xf32, #tpu.memory_space<any>>) target_semaphore(%arg7 : memref<!tpu.dma_semaphore, #tpu.memory_space<semaphore_mem>>)
    %dma_start3A_346 = arith.constant 116816 : i32
    %dma_start3A_347 = arith.constant 0 : i32
    %dma_start3A_348 = tpu.memref_slice %arg3[%dma_start3A_346, %dma_start3A_347] : memref<131072x768xf32, #tpu.memory_space<any>> -> memref<1968x768xf32, #tpu.memory_space<any>>
    %dma_start3A_349 = arith.constant 1968 : i32
    %dma_start3A_350 = arith.constant 0 : i32
    %dma_start3A_351 = tpu.memref_slice %arg5[%dma_start3A_349, %dma_start3A_350] : memref<3936x768xf32, #tpu.memory_space<vmem>> -> memref<1968x768xf32, #tpu.memory_space<vmem>>
    tpu.enqueue_dma source(%dma_start3A_351 : memref<1968x768xf32, #tpu.memory_space<vmem>>) target(%dma_start3A_348 : memref<1968x768xf32, #tpu.memory_space<any>>) target_semaphore(%arg6 : memref<!tpu.dma_semaphore, #tpu.memory_space<semaphore_mem>>)
    %dma_start3A_352 = arith.constant 118944 : i32
    %dma_start3A_353 = arith.constant 0 : i32
    %dma_start3A_354 = tpu.memref_slice %arg3[%dma_start3A_352, %dma_start3A_353] : memref<131072x768xf32, #tpu.memory_space<any>> -> memref<1968x768xf32, #tpu.memory_space<any>>
    %dma_start3A_355 = arith.constant 0 : i32
    %dma_start3A_356 = arith.constant 0 : i32
    %dma_start3A_357 = tpu.memref_slice %arg5[%dma_start3A_355, %dma_start3A_356] : memref<3936x768xf32, #tpu.memory_space<vmem>> -> memref<1968x768xf32, #tpu.memory_space<vmem>>
    tpu.enqueue_dma source(%dma_start3A_357 : memref<1968x768xf32, #tpu.memory_space<vmem>>) target(%dma_start3A_354 : memref<1968x768xf32, #tpu.memory_space<any>>) target_semaphore(%arg7 : memref<!tpu.dma_semaphore, #tpu.memory_space<semaphore_mem>>)
    %dma_start3A_358 = arith.constant 120912 : i32
    %dma_start3A_359 = arith.constant 0 : i32
    %dma_start3A_360 = tpu.memref_slice %arg3[%dma_start3A_358, %dma_start3A_359] : memref<131072x768xf32, #tpu.memory_space<any>> -> memref<1968x768xf32, #tpu.memory_space<any>>
    %dma_start3A_361 = arith.constant 1968 : i32
    %dma_start3A_362 = arith.constant 0 : i32
    %dma_start3A_363 = tpu.memref_slice %arg5[%dma_start3A_361, %dma_start3A_362] : memref<3936x768xf32, #tpu.memory_space<vmem>> -> memref<1968x768xf32, #tpu.memory_space<vmem>>
    tpu.enqueue_dma source(%dma_start3A_363 : memref<1968x768xf32, #tpu.memory_space<vmem>>) target(%dma_start3A_360 : memref<1968x768xf32, #tpu.memory_space<any>>) target_semaphore(%arg6 : memref<!tpu.dma_semaphore, #tpu.memory_space<semaphore_mem>>)
    %dma_start3A_364 = arith.constant 123040 : i32
    %dma_start3A_365 = arith.constant 0 : i32
    %dma_start3A_366 = tpu.memref_slice %arg3[%dma_start3A_364, %dma_start3A_365] : memref<131072x768xf32, #tpu.memory_space<any>> -> memref<1968x768xf32, #tpu.memory_space<any>>
    %dma_start3A_367 = arith.constant 0 : i32
    %dma_start3A_368 = arith.constant 0 : i32
    %dma_start3A_369 = tpu.memref_slice %arg5[%dma_start3A_367, %dma_start3A_368] : memref<3936x768xf32, #tpu.memory_space<vmem>> -> memref<1968x768xf32, #tpu.memory_space<vmem>>
    tpu.enqueue_dma source(%dma_start3A_369 : memref<1968x768xf32, #tpu.memory_space<vmem>>) target(%dma_start3A_366 : memref<1968x768xf32, #tpu.memory_space<any>>) target_semaphore(%arg7 : memref<!tpu.dma_semaphore, #tpu.memory_space<semaphore_mem>>)
    %dma_start3A_370 = arith.constant 125008 : i32
    %dma_start3A_371 = arith.constant 0 : i32
    %dma_start3A_372 = tpu.memref_slice %arg3[%dma_start3A_370, %dma_start3A_371] : memref<131072x768xf32, #tpu.memory_space<any>> -> memref<1968x768xf32, #tpu.memory_space<any>>
    %dma_start3A_373 = arith.constant 1968 : i32
    %dma_start3A_374 = arith.constant 0 : i32
    %dma_start3A_375 = tpu.memref_slice %arg5[%dma_start3A_373, %dma_start3A_374] : memref<3936x768xf32, #tpu.memory_space<vmem>> -> memref<1968x768xf32, #tpu.memory_space<vmem>>
    tpu.enqueue_dma source(%dma_start3A_375 : memref<1968x768xf32, #tpu.memory_space<vmem>>) target(%dma_start3A_372 : memref<1968x768xf32, #tpu.memory_space<any>>) target_semaphore(%arg6 : memref<!tpu.dma_semaphore, #tpu.memory_space<semaphore_mem>>)
    %dma_start3A_376 = arith.constant 127136 : i32
    %dma_start3A_377 = arith.constant 0 : i32
    %dma_start3A_378 = tpu.memref_slice %arg3[%dma_start3A_376, %dma_start3A_377] : memref<131072x768xf32, #tpu.memory_space<any>> -> memref<1968x768xf32, #tpu.memory_space<any>>
    %dma_start3A_379 = arith.constant 0 : i32
    %dma_start3A_380 = arith.constant 0 : i32
    %dma_start3A_381 = tpu.memref_slice %arg5[%dma_start3A_379, %dma_start3A_380] : memref<3936x768xf32, #tpu.memory_space<vmem>> -> memref<1968x768xf32, #tpu.memory_space<vmem>>
    tpu.enqueue_dma source(%dma_start3A_381 : memref<1968x768xf32, #tpu.memory_space<vmem>>) target(%dma_start3A_378 : memref<1968x768xf32, #tpu.memory_space<any>>) target_semaphore(%arg7 : memref<!tpu.dma_semaphore, #tpu.memory_space<semaphore_mem>>)
    %dma_start3A_382 = arith.constant 129104 : i32
    %dma_start3A_383 = arith.constant 0 : i32
    %dma_start3A_384 = tpu.memref_slice %arg3[%dma_start3A_382, %dma_start3A_383] : memref<131072x768xf32, #tpu.memory_space<any>> -> memref<1968x768xf32, #tpu.memory_space<any>>
    %dma_start3A_385 = arith.constant 1968 : i32
    %dma_start3A_386 = arith.constant 0 : i32
    %dma_start3A_387 = tpu.memref_slice %arg5[%dma_start3A_385, %dma_start3A_386] : memref<3936x768xf32, #tpu.memory_space<vmem>> -> memref<1968x768xf32, #tpu.memory_space<vmem>>
    tpu.enqueue_dma source(%dma_start3A_387 : memref<1968x768xf32, #tpu.memory_space<vmem>>) target(%dma_start3A_384 : memref<1968x768xf32, #tpu.memory_space<any>>) target_semaphore(%arg6 : memref<!tpu.dma_semaphore, #tpu.memory_space<semaphore_mem>>)
    %get3A_388 = arith.constant 31 : index
    %get3A_389 = arith.constant 0 : index
    %get3A_390 = vector.load %arg1[%get3A_388, %get3A_389] : memref<192x768xf32, #tpu.memory_space<vmem>>, vector<160x768xf32>
    %swap3A_391 = arith.constant 0 : index
    %swap3A_392 = arith.constant 0 : index
    %swap3A_393 = vector.load %arg4[%swap3A_391, %swap3A_392] : memref<5120x768xf32, #tpu.memory_space<vmem>>, vector<160x768xf32>
    tpu.vector_store %arg4[%swap3A_391, %swap3A_392], %get3A_390 {strides = array<i32>} : memref<5120x768xf32, #tpu.memory_space<vmem>>, vector<160x768xf32>,
    %get3A_394 = arith.constant 30 : index
    %get3A_395 = arith.constant 0 : index
    %get3A_396 = vector.load %arg1[%get3A_394, %get3A_395] : memref<192x768xf32, #tpu.memory_space<vmem>>, vector<160x768xf32>
    %swap3A_397 = arith.constant 160 : index
    %swap3A_398 = arith.constant 0 : index
    %swap3A_399 = vector.load %arg4[%swap3A_397, %swap3A_398] : memref<5120x768xf32, #tpu.memory_space<vmem>>, vector<160x768xf32>
    tpu.vector_store %arg4[%swap3A_397, %swap3A_398], %get3A_396 {strides = array<i32>} : memref<5120x768xf32, #tpu.memory_space<vmem>>, vector<160x768xf32>,
    %get3A_400 = arith.constant 29 : index
    %get3A_401 = arith.constant 0 : index
    %get3A_402 = vector.load %arg1[%get3A_400, %get3A_401] : memref<192x768xf32, #tpu.memory_space<vmem>>, vector<160x768xf32>
    %swap3A_403 = arith.constant 320 : index
    %swap3A_404 = arith.constant 0 : index
    %swap3A_405 = vector.load %arg4[%swap3A_403, %swap3A_404] : memref<5120x768xf32, #tpu.memory_space<vmem>>, vector<160x768xf32>
    tpu.vector_store %arg4[%swap3A_403, %swap3A_404], %get3A_402 {strides = array<i32>} : memref<5120x768xf32, #tpu.memory_space<vmem>>, vector<160x768xf32>,
    %get3A_406 = arith.constant 28 : index
    %get3A_407 = arith.constant 0 : index
    %get3A_408 = vector.load %arg1[%get3A_406, %get3A_407] : memref<192x768xf32, #tpu.memory_space<vmem>>, vector<160x768xf32>
    %swap3A_409 = arith.constant 480 : index
    %swap3A_410 = arith.constant 0 : index
    %swap3A_411 = vector.load %arg4[%swap3A_409, %swap3A_410] : memref<5120x768xf32, #tpu.memory_space<vmem>>, vector<160x768xf32>
    tpu.vector_store %arg4[%swap3A_409, %swap3A_410], %get3A_408 {strides = array<i32>} : memref<5120x768xf32, #tpu.memory_space<vmem>>, vector<160x768xf32>,
    %get3A_412 = arith.constant 27 : index
    %get3A_413 = arith.constant 0 : index
    %get3A_414 = vector.load %arg1[%get3A_412, %get3A_413] : memref<192x768xf32, #tpu.memory_space<vmem>>, vector<160x768xf32>
    %swap3A_415 = arith.constant 640 : index
    %swap3A_416 = arith.constant 0 : index
    %swap3A_417 = vector.load %arg4[%swap3A_415, %swap3A_416] : memref<5120x768xf32, #tpu.memory_space<vmem>>, vector<160x768xf32>
    tpu.vector_store %arg4[%swap3A_415, %swap3A_416], %get3A_414 {strides = array<i32>} : memref<5120x768xf32, #tpu.memory_space<vmem>>, vector<160x768xf32>,
    %get3A_418 = arith.constant 26 : index
    %get3A_419 = arith.constant 0 : index
    %get3A_420 = vector.load %arg1[%get3A_418, %get3A_419] : memref<192x768xf32, #tpu.memory_space<vmem>>, vector<160x768xf32>
    %swap3A_421 = arith.constant 800 : index
    %swap3A_422 = arith.constant 0 : index
    %swap3A_423 = vector.load %arg4[%swap3A_421, %swap3A_422] : memref<5120x768xf32, #tpu.memory_space<vmem>>, vector<160x768xf32>
    tpu.vector_store %arg4[%swap3A_421, %swap3A_422], %get3A_420 {strides = array<i32>} : memref<5120x768xf32, #tpu.memory_space<vmem>>, vector<160x768xf32>,
    %get3A_424 = arith.constant 25 : index
    %get3A_425 = arith.constant 0 : index
    %get3A_426 = vector.load %arg1[%get3A_424, %get3A_425] : memref<192x768xf32, #tpu.memory_space<vmem>>, vector<160x768xf32>
    %swap3A_427 = arith.constant 960 : index
    %swap3A_428 = arith.constant 0 : index
    %swap3A_429 = vector.load %arg4[%swap3A_427, %swap3A_428] : memref<5120x768xf32, #tpu.memory_space<vmem>>, vector<160x768xf32>
    tpu.vector_store %arg4[%swap3A_427, %swap3A_428], %get3A_426 {strides = array<i32>} : memref<5120x768xf32, #tpu.memory_space<vmem>>, vector<160x768xf32>,
    %get3A_430 = arith.constant 24 : index
    %get3A_431 = arith.constant 0 : index
    %get3A_432 = vector.load %arg1[%get3A_430, %get3A_431] : memref<192x768xf32, #tpu.memory_space<vmem>>, vector<160x768xf32>
    %swap3A_433 = arith.constant 1120 : index
    %swap3A_434 = arith.constant 0 : index
    %swap3A_435 = vector.load %arg4[%swap3A_433, %swap3A_434] : memref<5120x768xf32, #tpu.memory_space<vmem>>, vector<160x768xf32>
    tpu.vector_store %arg4[%swap3A_433, %swap3A_434], %get3A_432 {strides = array<i32>} : memref<5120x768xf32, #tpu.memory_space<vmem>>, vector<160x768xf32>,
    %get3A_436 = arith.constant 23 : index
    %get3A_437 = arith.constant 0 : index
    %get3A_438 = vector.load %arg1[%get3A_436, %get3A_437] : memref<192x768xf32, #tpu.memory_space<vmem>>, vector<160x768xf32>
    %swap3A_439 = arith.constant 1280 : index
    %swap3A_440 = arith.constant 0 : index
    %swap3A_441 = vector.load %arg4[%swap3A_439, %swap3A_440] : memref<5120x768xf32, #tpu.memory_space<vmem>>, vector<160x768xf32>
    tpu.vector_store %arg4[%swap3A_439, %swap3A_440], %get3A_438 {strides = array<i32>} : memref<5120x768xf32, #tpu.memory_space<vmem>>, vector<160x768xf32>,
    %get3A_442 = arith.constant 22 : index
    %get3A_443 = arith.constant 0 : index
    %get3A_444 = vector.load %arg1[%get3A_442, %get3A_443] : memref<192x768xf32, #tpu.memory_space<vmem>>, vector<160x768xf32>
    %swap3A_445 = arith.constant 1440 : index
    %swap3A_446 = arith.constant 0 : index
    %swap3A_447 = vector.load %arg4[%swap3A_445, %swap3A_446] : memref<5120x768xf32, #tpu.memory_space<vmem>>, vector<160x768xf32>
    tpu.vector_store %arg4[%swap3A_445, %swap3A_446], %get3A_444 {strides = array<i32>} : memref<5120x768xf32, #tpu.memory_space<vmem>>, vector<160x768xf32>,
    %get3A_448 = arith.constant 21 : index
    %get3A_449 = arith.constant 0 : index
    %get3A_450 = vector.load %arg1[%get3A_448, %get3A_449] : memref<192x768xf32, #tpu.memory_space<vmem>>, vector<160x768xf32>
    %swap3A_451 = arith.constant 1600 : index
    %swap3A_452 = arith.constant 0 : index
    %swap3A_453 = vector.load %arg4[%swap3A_451, %swap3A_452] : memref<5120x768xf32, #tpu.memory_space<vmem>>, vector<160x768xf32>
    tpu.vector_store %arg4[%swap3A_451, %swap3A_452], %get3A_450 {strides = array<i32>} : memref<5120x768xf32, #tpu.memory_space<vmem>>, vector<160x768xf32>,
    %get3A_454 = arith.constant 20 : index
    %get3A_455 = arith.constant 0 : index
    %get3A_456 = vector.load %arg1[%get3A_454, %get3A_455] : memref<192x768xf32, #tpu.memory_space<vmem>>, vector<160x768xf32>
    %swap3A_457 = arith.constant 1760 : index
    %swap3A_458 = arith.constant 0 : index
    %swap3A_459 = vector.load %arg4[%swap3A_457, %swap3A_458] : memref<5120x768xf32, #tpu.memory_space<vmem>>, vector<160x768xf32>
    tpu.vector_store %arg4[%swap3A_457, %swap3A_458], %get3A_456 {strides = array<i32>} : memref<5120x768xf32, #tpu.memory_space<vmem>>, vector<160x768xf32>,
    %get3A_460 = arith.constant 19 : index
    %get3A_461 = arith.constant 0 : index
    %get3A_462 = vector.load %arg1[%get3A_460, %get3A_461] : memref<192x768xf32, #tpu.memory_space<vmem>>, vector<160x768xf32>
    %swap3A_463 = arith.constant 1920 : index
    %swap3A_464 = arith.constant 0 : index
    %swap3A_465 = vector.load %arg4[%swap3A_463, %swap3A_464] : memref<5120x768xf32, #tpu.memory_space<vmem>>, vector<160x768xf32>
    tpu.vector_store %arg4[%swap3A_463, %swap3A_464], %get3A_462 {strides = array<i32>} : memref<5120x768xf32, #tpu.memory_space<vmem>>, vector<160x768xf32>,
    %get3A_466 = arith.constant 18 : index
    %get3A_467 = arith.constant 0 : index
    %get3A_468 = vector.load %arg1[%get3A_466, %get3A_467] : memref<192x768xf32, #tpu.memory_space<vmem>>, vector<160x768xf32>
    %swap3A_469 = arith.constant 2080 : index
    %swap3A_470 = arith.constant 0 : index
    %swap3A_471 = vector.load %arg4[%swap3A_469, %swap3A_470] : memref<5120x768xf32, #tpu.memory_space<vmem>>, vector<160x768xf32>
    tpu.vector_store %arg4[%swap3A_469, %swap3A_470], %get3A_468 {strides = array<i32>} : memref<5120x768xf32, #tpu.memory_space<vmem>>, vector<160x768xf32>,
    %get3A_472 = arith.constant 17 : index
    %get3A_473 = arith.constant 0 : index
    %get3A_474 = vector.load %arg1[%get3A_472, %get3A_473] : memref<192x768xf32, #tpu.memory_space<vmem>>, vector<160x768xf32>
    %swap3A_475 = arith.constant 2240 : index
    %swap3A_476 = arith.constant 0 : index
    %swap3A_477 = vector.load %arg4[%swap3A_475, %swap3A_476] : memref<5120x768xf32, #tpu.memory_space<vmem>>, vector<160x768xf32>
    tpu.vector_store %arg4[%swap3A_475, %swap3A_476], %get3A_474 {strides = array<i32>} : memref<5120x768xf32, #tpu.memory_space<vmem>>, vector<160x768xf32>,
    %get3A_478 = arith.constant 16 : index
    %get3A_479 = arith.constant 0 : index
    %get3A_480 = vector.load %arg1[%get3A_478, %get3A_479] : memref<192x768xf32, #tpu.memory_space<vmem>>, vector<160x768xf32>
    %swap3A_481 = arith.constant 2400 : index
    %swap3A_482 = arith.constant 0 : index
    %swap3A_483 = vector.load %arg4[%swap3A_481, %swap3A_482] : memref<5120x768xf32, #tpu.memory_space<vmem>>, vector<160x768xf32>
    tpu.vector_store %arg4[%swap3A_481, %swap3A_482], %get3A_480 {strides = array<i32>} : memref<5120x768xf32, #tpu.memory_space<vmem>>, vector<160x768xf32>,
    %get3A_484 = arith.constant 15 : index
    %get3A_485 = arith.constant 0 : index
    %get3A_486 = vector.load %arg1[%get3A_484, %get3A_485] : memref<192x768xf32, #tpu.memory_space<vmem>>, vector<160x768xf32>
    %swap3A_487 = arith.constant 2560 : index
    %swap3A_488 = arith.constant 0 : index
    %swap3A_489 = vector.load %arg4[%swap3A_487, %swap3A_488] : memref<5120x768xf32, #tpu.memory_space<vmem>>, vector<160x768xf32>
    tpu.vector_store %arg4[%swap3A_487, %swap3A_488], %get3A_486 {strides = array<i32>} : memref<5120x768xf32, #tpu.memory_space<vmem>>, vector<160x768xf32>,
    %get3A_490 = arith.constant 14 : index
    %get3A_491 = arith.constant 0 : index
    %get3A_492 = vector.load %arg1[%get3A_490, %get3A_491] : memref<192x768xf32, #tpu.memory_space<vmem>>, vector<160x768xf32>
    %swap3A_493 = arith.constant 2720 : index
    %swap3A_494 = arith.constant 0 : index
    %swap3A_495 = vector.load %arg4[%swap3A_493, %swap3A_494] : memref<5120x768xf32, #tpu.memory_space<vmem>>, vector<160x768xf32>
    tpu.vector_store %arg4[%swap3A_493, %swap3A_494], %get3A_492 {strides = array<i32>} : memref<5120x768xf32, #tpu.memory_space<vmem>>, vector<160x768xf32>,
    %get3A_496 = arith.constant 13 : index
    %get3A_497 = arith.constant 0 : index
    %get3A_498 = vector.load %arg1[%get3A_496, %get3A_497] : memref<192x768xf32, #tpu.memory_space<vmem>>, vector<160x768xf32>
    %swap3A_499 = arith.constant 2880 : index
    %swap3A_500 = arith.constant 0 : index
    %swap3A_501 = vector.load %arg4[%swap3A_499, %swap3A_500] : memref<5120x768xf32, #tpu.memory_space<vmem>>, vector<160x768xf32>
    tpu.vector_store %arg4[%swap3A_499, %swap3A_500], %get3A_498 {strides = array<i32>} : memref<5120x768xf32, #tpu.memory_space<vmem>>, vector<160x768xf32>,
    %get3A_502 = arith.constant 12 : index
    %get3A_503 = arith.constant 0 : index
    %get3A_504 = vector.load %arg1[%get3A_502, %get3A_503] : memref<192x768xf32, #tpu.memory_space<vmem>>, vector<160x768xf32>
    %swap3A_505 = arith.constant 3040 : index
    %swap3A_506 = arith.constant 0 : index
    %swap3A_507 = vector.load %arg4[%swap3A_505, %swap3A_506] : memref<5120x768xf32, #tpu.memory_space<vmem>>, vector<160x768xf32>
    tpu.vector_store %arg4[%swap3A_505, %swap3A_506], %get3A_504 {strides = array<i32>} : memref<5120x768xf32, #tpu.memory_space<vmem>>, vector<160x768xf32>,
    %get3A_508 = arith.constant 11 : index
    %get3A_509 = arith.constant 0 : index
    %get3A_510 = vector.load %arg1[%get3A_508, %get3A_509] : memref<192x768xf32, #tpu.memory_space<vmem>>, vector<160x768xf32>
    %swap3A_511 = arith.constant 3200 : index
    %swap3A_512 = arith.constant 0 : index
    %swap3A_513 = vector.load %arg4[%swap3A_511, %swap3A_512] : memref<5120x768xf32, #tpu.memory_space<vmem>>, vector<160x768xf32>
    tpu.vector_store %arg4[%swap3A_511, %swap3A_512], %get3A_510 {strides = array<i32>} : memref<5120x768xf32, #tpu.memory_space<vmem>>, vector<160x768xf32>,
    %get3A_514 = arith.constant 10 : index
    %get3A_515 = arith.constant 0 : index
    %get3A_516 = vector.load %arg1[%get3A_514, %get3A_515] : memref<192x768xf32, #tpu.memory_space<vmem>>, vector<160x768xf32>
    %swap3A_517 = arith.constant 3360 : index
    %swap3A_518 = arith.constant 0 : index
    %swap3A_519 = vector.load %arg4[%swap3A_517, %swap3A_518] : memref<5120x768xf32, #tpu.memory_space<vmem>>, vector<160x768xf32>
    tpu.vector_store %arg4[%swap3A_517, %swap3A_518], %get3A_516 {strides = array<i32>} : memref<5120x768xf32, #tpu.memory_space<vmem>>, vector<160x768xf32>,
    %get3A_520 = arith.constant 9 : index
    %get3A_521 = arith.constant 0 : index
    %get3A_522 = vector.load %arg1[%get3A_520, %get3A_521] : memref<192x768xf32, #tpu.memory_space<vmem>>, vector<160x768xf32>
    %swap3A_523 = arith.constant 3520 : index
    %swap3A_524 = arith.constant 0 : index
    %swap3A_525 = vector.load %arg4[%swap3A_523, %swap3A_524] : memref<5120x768xf32, #tpu.memory_space<vmem>>, vector<160x768xf32>
    tpu.vector_store %arg4[%swap3A_523, %swap3A_524], %get3A_522 {strides = array<i32>} : memref<5120x768xf32, #tpu.memory_space<vmem>>, vector<160x768xf32>,
    %get3A_526 = arith.constant 8 : index
    %get3A_527 = arith.constant 0 : index
    %get3A_528 = vector.load %arg1[%get3A_526, %get3A_527] : memref<192x768xf32, #tpu.memory_space<vmem>>, vector<160x768xf32>
    %swap3A_529 = arith.constant 3680 : index
    %swap3A_530 = arith.constant 0 : index
    %swap3A_531 = vector.load %arg4[%swap3A_529, %swap3A_530] : memref<5120x768xf32, #tpu.memory_space<vmem>>, vector<160x768xf32>
    tpu.vector_store %arg4[%swap3A_529, %swap3A_530], %get3A_528 {strides = array<i32>} : memref<5120x768xf32, #tpu.memory_space<vmem>>, vector<160x768xf32>,
    %get3A_532 = arith.constant 7 : index
    %get3A_533 = arith.constant 0 : index
    %get3A_534 = vector.load %arg1[%get3A_532, %get3A_533] : memref<192x768xf32, #tpu.memory_space<vmem>>, vector<160x768xf32>
    %swap3A_535 = arith.constant 3840 : index
    %swap3A_536 = arith.constant 0 : index
    %swap3A_537 = vector.load %arg4[%swap3A_535, %swap3A_536] : memref<5120x768xf32, #tpu.memory_space<vmem>>, vector<160x768xf32>
    tpu.vector_store %arg4[%swap3A_535, %swap3A_536], %get3A_534 {strides = array<i32>} : memref<5120x768xf32, #tpu.memory_space<vmem>>, vector<160x768xf32>,
    %get3A_538 = arith.constant 6 : index
    %get3A_539 = arith.constant 0 : index
    %get3A_540 = vector.load %arg1[%get3A_538, %get3A_539] : memref<192x768xf32, #tpu.memory_space<vmem>>, vector<160x768xf32>
    %swap3A_541 = arith.constant 4000 : index
    %swap3A_542 = arith.constant 0 : index
    %swap3A_543 = vector.load %arg4[%swap3A_541, %swap3A_542] : memref<5120x768xf32, #tpu.memory_space<vmem>>, vector<160x768xf32>
    tpu.vector_store %arg4[%swap3A_541, %swap3A_542], %get3A_540 {strides = array<i32>} : memref<5120x768xf32, #tpu.memory_space<vmem>>, vector<160x768xf32>,
    %get3A_544 = arith.constant 5 : index
    %get3A_545 = arith.constant 0 : index
    %get3A_546 = vector.load %arg1[%get3A_544, %get3A_545] : memref<192x768xf32, #tpu.memory_space<vmem>>, vector<160x768xf32>
    %swap3A_547 = arith.constant 4160 : index
    %swap3A_548 = arith.constant 0 : index
    %swap3A_549 = vector.load %arg4[%swap3A_547, %swap3A_548] : memref<5120x768xf32, #tpu.memory_space<vmem>>, vector<160x768xf32>
    tpu.vector_store %arg4[%swap3A_547, %swap3A_548], %get3A_546 {strides = array<i32>} : memref<5120x768xf32, #tpu.memory_space<vmem>>, vector<160x768xf32>,
    %get3A_550 = arith.constant 4 : index
    %get3A_551 = arith.constant 0 : index
    %get3A_552 = vector.load %arg1[%get3A_550, %get3A_551] : memref<192x768xf32, #tpu.memory_space<vmem>>, vector<160x768xf32>
    %swap3A_553 = arith.constant 4320 : index
    %swap3A_554 = arith.constant 0 : index
    %swap3A_555 = vector.load %arg4[%swap3A_553, %swap3A_554] : memref<5120x768xf32, #tpu.memory_space<vmem>>, vector<160x768xf32>
    tpu.vector_store %arg4[%swap3A_553, %swap3A_554], %get3A_552 {strides = array<i32>} : memref<5120x768xf32, #tpu.memory_space<vmem>>, vector<160x768xf32>,
    %get3A_556 = arith.constant 3 : index
    %get3A_557 = arith.constant 0 : index
    %get3A_558 = vector.load %arg1[%get3A_556, %get3A_557] : memref<192x768xf32, #tpu.memory_space<vmem>>, vector<160x768xf32>
    %swap3A_559 = arith.constant 4480 : index
    %swap3A_560 = arith.constant 0 : index
    %swap3A_561 = vector.load %arg4[%swap3A_559, %swap3A_560] : memref<5120x768xf32, #tpu.memory_space<vmem>>, vector<160x768xf32>
    tpu.vector_store %arg4[%swap3A_559, %swap3A_560], %get3A_558 {strides = array<i32>} : memref<5120x768xf32, #tpu.memory_space<vmem>>, vector<160x768xf32>,
    %get3A_562 = arith.constant 2 : index
    %get3A_563 = arith.constant 0 : index
    %get3A_564 = vector.load %arg1[%get3A_562, %get3A_563] : memref<192x768xf32, #tpu.memory_space<vmem>>, vector<160x768xf32>
    %swap3A_565 = arith.constant 4640 : index
    %swap3A_566 = arith.constant 0 : index
    %swap3A_567 = vector.load %arg4[%swap3A_565, %swap3A_566] : memref<5120x768xf32, #tpu.memory_space<vmem>>, vector<160x768xf32>
    tpu.vector_store %arg4[%swap3A_565, %swap3A_566], %get3A_564 {strides = array<i32>} : memref<5120x768xf32, #tpu.memory_space<vmem>>, vector<160x768xf32>,
    %get3A_568 = arith.constant 1 : index
    %get3A_569 = arith.constant 0 : index
    %get3A_570 = vector.load %arg1[%get3A_568, %get3A_569] : memref<192x768xf32, #tpu.memory_space<vmem>>, vector<160x768xf32>
    %swap3A_571 = arith.constant 4800 : index
    %swap3A_572 = arith.constant 0 : index
    %swap3A_573 = vector.load %arg4[%swap3A_571, %swap3A_572] : memref<5120x768xf32, #tpu.memory_space<vmem>>, vector<160x768xf32>
    tpu.vector_store %arg4[%swap3A_571, %swap3A_572], %get3A_570 {strides = array<i32>} : memref<5120x768xf32, #tpu.memory_space<vmem>>, vector<160x768xf32>,
    %get3A_574 = arith.constant 0 : index
    %get3A_575 = arith.constant 0 : index
    %get3A_576 = vector.load %arg1[%get3A_574, %get3A_575] : memref<192x768xf32, #tpu.memory_space<vmem>>, vector<160x768xf32>
    %swap3A_577 = arith.constant 4960 : index
    %swap3A_578 = arith.constant 0 : index
    %swap3A_579 = vector.load %arg4[%swap3A_577, %swap3A_578] : memref<5120x768xf32, #tpu.memory_space<vmem>>, vector<160x768xf32>
    tpu.vector_store %arg4[%swap3A_577, %swap3A_578], %get3A_576 {strides = array<i32>} : memref<5120x768xf32, #tpu.memory_space<vmem>>, vector<160x768xf32>,
    %dma_start3A_580 = arith.constant 0 : i32
    %dma_start3A_581 = arith.constant 0 : i32
    %dma_start3A_582 = tpu.memref_slice %arg3[%dma_start3A_580, %dma_start3A_581] : memref<131072x768xf32, #tpu.memory_space<any>> -> memref<160x768xf32, #tpu.memory_space<any>>
    %dma_start3A_583 = arith.constant 0 : i32
    %dma_start3A_584 = arith.constant 0 : i32
    %dma_start3A_585 = tpu.memref_slice %arg4[%dma_start3A_583, %dma_start3A_584] : memref<5120x768xf32, #tpu.memory_space<vmem>> -> memref<160x768xf32, #tpu.memory_space<vmem>>
    tpu.enqueue_dma source(%dma_start3A_585 : memref<160x768xf32, #tpu.memory_space<vmem>>) target(%dma_start3A_582 : memref<160x768xf32, #tpu.memory_space<any>>) target_semaphore(%arg6 : memref<!tpu.dma_semaphore, #tpu.memory_space<semaphore_mem>>)
    %dma_start3A_586 = arith.constant 4096 : i32
    %dma_start3A_587 = arith.constant 0 : i32
    %dma_start3A_588 = tpu.memref_slice %arg3[%dma_start3A_586, %dma_start3A_587] : memref<131072x768xf32, #tpu.memory_space<any>> -> memref<160x768xf32, #tpu.memory_space<any>>
    %dma_start3A_589 = arith.constant 160 : i32
    %dma_start3A_590 = arith.constant 0 : i32
    %dma_start3A_591 = tpu.memref_slice %arg4[%dma_start3A_589, %dma_start3A_590] : memref<5120x768xf32, #tpu.memory_space<vmem>> -> memref<160x768xf32, #tpu.memory_space<vmem>>
    tpu.enqueue_dma source(%dma_start3A_591 : memref<160x768xf32, #tpu.memory_space<vmem>>) target(%dma_start3A_588 : memref<160x768xf32, #tpu.memory_space<any>>) target_semaphore(%arg6 : memref<!tpu.dma_semaphore, #tpu.memory_space<semaphore_mem>>)
    %dma_start3A_592 = arith.constant 8192 : i32
    %dma_start3A_593 = arith.constant 0 : i32
    %dma_start3A_594 = tpu.memref_slice %arg3[%dma_start3A_592, %dma_start3A_593] : memref<131072x768xf32, #tpu.memory_space<any>> -> memref<160x768xf32, #tpu.memory_space<any>>
    %dma_start3A_595 = arith.constant 320 : i32
    %dma_start3A_596 = arith.constant 0 : i32
    %dma_start3A_597 = tpu.memref_slice %arg4[%dma_start3A_595, %dma_start3A_596] : memref<5120x768xf32, #tpu.memory_space<vmem>> -> memref<160x768xf32, #tpu.memory_space<vmem>>
    tpu.enqueue_dma source(%dma_start3A_597 : memref<160x768xf32, #tpu.memory_space<vmem>>) target(%dma_start3A_594 : memref<160x768xf32, #tpu.memory_space<any>>) target_semaphore(%arg6 : memref<!tpu.dma_semaphore, #tpu.memory_space<semaphore_mem>>)
    %dma_start3A_598 = arith.constant 12288 : i32
    %dma_start3A_599 = arith.constant 0 : i32
    %dma_start3A_600 = tpu.memref_slice %arg3[%dma_start3A_598, %dma_start3A_599] : memref<131072x768xf32, #tpu.memory_space<any>> -> memref<160x768xf32, #tpu.memory_space<any>>
    %dma_start3A_601 = arith.constant 480 : i32
    %dma_start3A_602 = arith.constant 0 : i32
    %dma_start3A_603 = tpu.memref_slice %arg4[%dma_start3A_601, %dma_start3A_602] : memref<5120x768xf32, #tpu.memory_space<vmem>> -> memref<160x768xf32, #tpu.memory_space<vmem>>
    tpu.enqueue_dma source(%dma_start3A_603 : memref<160x768xf32, #tpu.memory_space<vmem>>) target(%dma_start3A_600 : memref<160x768xf32, #tpu.memory_space<any>>) target_semaphore(%arg6 : memref<!tpu.dma_semaphore, #tpu.memory_space<semaphore_mem>>)
    %dma_start3A_604 = arith.constant 16384 : i32
    %dma_start3A_605 = arith.constant 0 : i32
    %dma_start3A_606 = tpu.memref_slice %arg3[%dma_start3A_604, %dma_start3A_605] : memref<131072x768xf32, #tpu.memory_space<any>> -> memref<160x768xf32, #tpu.memory_space<any>>
    %dma_start3A_607 = arith.constant 640 : i32
    %dma_start3A_608 = arith.constant 0 : i32
    %dma_start3A_609 = tpu.memref_slice %arg4[%dma_start3A_607, %dma_start3A_608] : memref<5120x768xf32, #tpu.memory_space<vmem>> -> memref<160x768xf32, #tpu.memory_space<vmem>>
    tpu.enqueue_dma source(%dma_start3A_609 : memref<160x768xf32, #tpu.memory_space<vmem>>) target(%dma_start3A_606 : memref<160x768xf32, #tpu.memory_space<any>>) target_semaphore(%arg6 : memref<!tpu.dma_semaphore, #tpu.memory_space<semaphore_mem>>)
    %dma_start3A_610 = arith.constant 20480 : i32
    %dma_start3A_611 = arith.constant 0 : i32
    %dma_start3A_612 = tpu.memref_slice %arg3[%dma_start3A_610, %dma_start3A_611] : memref<131072x768xf32, #tpu.memory_space<any>> -> memref<160x768xf32, #tpu.memory_space<any>>
    %dma_start3A_613 = arith.constant 800 : i32
    %dma_start3A_614 = arith.constant 0 : i32
    %dma_start3A_615 = tpu.memref_slice %arg4[%dma_start3A_613, %dma_start3A_614] : memref<5120x768xf32, #tpu.memory_space<vmem>> -> memref<160x768xf32, #tpu.memory_space<vmem>>
    tpu.enqueue_dma source(%dma_start3A_615 : memref<160x768xf32, #tpu.memory_space<vmem>>) target(%dma_start3A_612 : memref<160x768xf32, #tpu.memory_space<any>>) target_semaphore(%arg6 : memref<!tpu.dma_semaphore, #tpu.memory_space<semaphore_mem>>)
    %dma_start3A_616 = arith.constant 24576 : i32
    %dma_start3A_617 = arith.constant 0 : i32
    %dma_start3A_618 = tpu.memref_slice %arg3[%dma_start3A_616, %dma_start3A_617] : memref<131072x768xf32, #tpu.memory_space<any>> -> memref<160x768xf32, #tpu.memory_space<any>>
    %dma_start3A_619 = arith.constant 960 : i32
    %dma_start3A_620 = arith.constant 0 : i32
    %dma_start3A_621 = tpu.memref_slice %arg4[%dma_start3A_619, %dma_start3A_620] : memref<5120x768xf32, #tpu.memory_space<vmem>> -> memref<160x768xf32, #tpu.memory_space<vmem>>
    tpu.enqueue_dma source(%dma_start3A_621 : memref<160x768xf32, #tpu.memory_space<vmem>>) target(%dma_start3A_618 : memref<160x768xf32, #tpu.memory_space<any>>) target_semaphore(%arg6 : memref<!tpu.dma_semaphore, #tpu.memory_space<semaphore_mem>>)
    %dma_start3A_622 = arith.constant 28672 : i32
    %dma_start3A_623 = arith.constant 0 : i32
    %dma_start3A_624 = tpu.memref_slice %arg3[%dma_start3A_622, %dma_start3A_623] : memref<131072x768xf32, #tpu.memory_space<any>> -> memref<160x768xf32, #tpu.memory_space<any>>
    %dma_start3A_625 = arith.constant 1120 : i32
    %dma_start3A_626 = arith.constant 0 : i32
    %dma_start3A_627 = tpu.memref_slice %arg4[%dma_start3A_625, %dma_start3A_626] : memref<5120x768xf32, #tpu.memory_space<vmem>> -> memref<160x768xf32, #tpu.memory_space<vmem>>
    tpu.enqueue_dma source(%dma_start3A_627 : memref<160x768xf32, #tpu.memory_space<vmem>>) target(%dma_start3A_624 : memref<160x768xf32, #tpu.memory_space<any>>) target_semaphore(%arg6 : memref<!tpu.dma_semaphore, #tpu.memory_space<semaphore_mem>>)
    %dma_start3A_628 = arith.constant 32768 : i32
    %dma_start3A_629 = arith.constant 0 : i32
    %dma_start3A_630 = tpu.memref_slice %arg3[%dma_start3A_628, %dma_start3A_629] : memref<131072x768xf32, #tpu.memory_space<any>> -> memref<160x768xf32, #tpu.memory_space<any>>
    %dma_start3A_631 = arith.constant 1280 : i32
    %dma_start3A_632 = arith.constant 0 : i32
    %dma_start3A_633 = tpu.memref_slice %arg4[%dma_start3A_631, %dma_start3A_632] : memref<5120x768xf32, #tpu.memory_space<vmem>> -> memref<160x768xf32, #tpu.memory_space<vmem>>
    tpu.enqueue_dma source(%dma_start3A_633 : memref<160x768xf32, #tpu.memory_space<vmem>>) target(%dma_start3A_630 : memref<160x768xf32, #tpu.memory_space<any>>) target_semaphore(%arg6 : memref<!tpu.dma_semaphore, #tpu.memory_space<semaphore_mem>>)
    %dma_start3A_634 = arith.constant 36864 : i32
    %dma_start3A_635 = arith.constant 0 : i32
    %dma_start3A_636 = tpu.memref_slice %arg3[%dma_start3A_634, %dma_start3A_635] : memref<131072x768xf32, #tpu.memory_space<any>> -> memref<160x768xf32, #tpu.memory_space<any>>
    %dma_start3A_637 = arith.constant 1440 : i32
    %dma_start3A_638 = arith.constant 0 : i32
    %dma_start3A_639 = tpu.memref_slice %arg4[%dma_start3A_637, %dma_start3A_638] : memref<5120x768xf32, #tpu.memory_space<vmem>> -> memref<160x768xf32, #tpu.memory_space<vmem>>
    tpu.enqueue_dma source(%dma_start3A_639 : memref<160x768xf32, #tpu.memory_space<vmem>>) target(%dma_start3A_636 : memref<160x768xf32, #tpu.memory_space<any>>) target_semaphore(%arg6 : memref<!tpu.dma_semaphore, #tpu.memory_space<semaphore_mem>>)
    %dma_start3A_640 = arith.constant 40960 : i32
    %dma_start3A_641 = arith.constant 0 : i32
    %dma_start3A_642 = tpu.memref_slice %arg3[%dma_start3A_640, %dma_start3A_641] : memref<131072x768xf32, #tpu.memory_space<any>> -> memref<160x768xf32, #tpu.memory_space<any>>
    %dma_start3A_643 = arith.constant 1600 : i32
    %dma_start3A_644 = arith.constant 0 : i32
    %dma_start3A_645 = tpu.memref_slice %arg4[%dma_start3A_643, %dma_start3A_644] : memref<5120x768xf32, #tpu.memory_space<vmem>> -> memref<160x768xf32, #tpu.memory_space<vmem>>
    tpu.enqueue_dma source(%dma_start3A_645 : memref<160x768xf32, #tpu.memory_space<vmem>>) target(%dma_start3A_642 : memref<160x768xf32, #tpu.memory_space<any>>) target_semaphore(%arg6 : memref<!tpu.dma_semaphore, #tpu.memory_space<semaphore_mem>>)
    %dma_start3A_646 = arith.constant 45056 : i32
    %dma_start3A_647 = arith.constant 0 : i32
    %dma_start3A_648 = tpu.memref_slice %arg3[%dma_start3A_646, %dma_start3A_647] : memref<131072x768xf32, #tpu.memory_space<any>> -> memref<160x768xf32, #tpu.memory_space<any>>
    %dma_start3A_649 = arith.constant 1760 : i32
    %dma_start3A_650 = arith.constant 0 : i32
    %dma_start3A_651 = tpu.memref_slice %arg4[%dma_start3A_649, %dma_start3A_650] : memref<5120x768xf32, #tpu.memory_space<vmem>> -> memref<160x768xf32, #tpu.memory_space<vmem>>
    tpu.enqueue_dma source(%dma_start3A_651 : memref<160x768xf32, #tpu.memory_space<vmem>>) target(%dma_start3A_648 : memref<160x768xf32, #tpu.memory_space<any>>) target_semaphore(%arg6 : memref<!tpu.dma_semaphore, #tpu.memory_space<semaphore_mem>>)
    %dma_start3A_652 = arith.constant 49152 : i32
    %dma_start3A_653 = arith.constant 0 : i32
    %dma_start3A_654 = tpu.memref_slice %arg3[%dma_start3A_652, %dma_start3A_653] : memref<131072x768xf32, #tpu.memory_space<any>> -> memref<160x768xf32, #tpu.memory_space<any>>
    %dma_start3A_655 = arith.constant 1920 : i32
    %dma_start3A_656 = arith.constant 0 : i32
    %dma_start3A_657 = tpu.memref_slice %arg4[%dma_start3A_655, %dma_start3A_656] : memref<5120x768xf32, #tpu.memory_space<vmem>> -> memref<160x768xf32, #tpu.memory_space<vmem>>
    tpu.enqueue_dma source(%dma_start3A_657 : memref<160x768xf32, #tpu.memory_space<vmem>>) target(%dma_start3A_654 : memref<160x768xf32, #tpu.memory_space<any>>) target_semaphore(%arg6 : memref<!tpu.dma_semaphore, #tpu.memory_space<semaphore_mem>>)
    %dma_start3A_658 = arith.constant 53248 : i32
    %dma_start3A_659 = arith.constant 0 : i32
    %dma_start3A_660 = tpu.memref_slice %arg3[%dma_start3A_658, %dma_start3A_659] : memref<131072x768xf32, #tpu.memory_space<any>> -> memref<160x768xf32, #tpu.memory_space<any>>
    %dma_start3A_661 = arith.constant 2080 : i32
    %dma_start3A_662 = arith.constant 0 : i32
    %dma_start3A_663 = tpu.memref_slice %arg4[%dma_start3A_661, %dma_start3A_662] : memref<5120x768xf32, #tpu.memory_space<vmem>> -> memref<160x768xf32, #tpu.memory_space<vmem>>
    tpu.enqueue_dma source(%dma_start3A_663 : memref<160x768xf32, #tpu.memory_space<vmem>>) target(%dma_start3A_660 : memref<160x768xf32, #tpu.memory_space<any>>) target_semaphore(%arg6 : memref<!tpu.dma_semaphore, #tpu.memory_space<semaphore_mem>>)
    %dma_start3A_664 = arith.constant 57344 : i32
    %dma_start3A_665 = arith.constant 0 : i32
    %dma_start3A_666 = tpu.memref_slice %arg3[%dma_start3A_664, %dma_start3A_665] : memref<131072x768xf32, #tpu.memory_space<any>> -> memref<160x768xf32, #tpu.memory_space<any>>
    %dma_start3A_667 = arith.constant 2240 : i32
    %dma_start3A_668 = arith.constant 0 : i32
    %dma_start3A_669 = tpu.memref_slice %arg4[%dma_start3A_667, %dma_start3A_668] : memref<5120x768xf32, #tpu.memory_space<vmem>> -> memref<160x768xf32, #tpu.memory_space<vmem>>
    tpu.enqueue_dma source(%dma_start3A_669 : memref<160x768xf32, #tpu.memory_space<vmem>>) target(%dma_start3A_666 : memref<160x768xf32, #tpu.memory_space<any>>) target_semaphore(%arg6 : memref<!tpu.dma_semaphore, #tpu.memory_space<semaphore_mem>>)
    %dma_start3A_670 = arith.constant 61440 : i32
    %dma_start3A_671 = arith.constant 0 : i32
    %dma_start3A_672 = tpu.memref_slice %arg3[%dma_start3A_670, %dma_start3A_671] : memref<131072x768xf32, #tpu.memory_space<any>> -> memref<160x768xf32, #tpu.memory_space<any>>
    %dma_start3A_673 = arith.constant 2400 : i32
    %dma_start3A_674 = arith.constant 0 : i32
    %dma_start3A_675 = tpu.memref_slice %arg4[%dma_start3A_673, %dma_start3A_674] : memref<5120x768xf32, #tpu.memory_space<vmem>> -> memref<160x768xf32, #tpu.memory_space<vmem>>
    tpu.enqueue_dma source(%dma_start3A_675 : memref<160x768xf32, #tpu.memory_space<vmem>>) target(%dma_start3A_672 : memref<160x768xf32, #tpu.memory_space<any>>) target_semaphore(%arg6 : memref<!tpu.dma_semaphore, #tpu.memory_space<semaphore_mem>>)
    %dma_start3A_676 = arith.constant 65536 : i32
    %dma_start3A_677 = arith.constant 0 : i32
    %dma_start3A_678 = tpu.memref_slice %arg3[%dma_start3A_676, %dma_start3A_677] : memref<131072x768xf32, #tpu.memory_space<any>> -> memref<160x768xf32, #tpu.memory_space<any>>
    %dma_start3A_679 = arith.constant 2560 : i32
    %dma_start3A_680 = arith.constant 0 : i32
    %dma_start3A_681 = tpu.memref_slice %arg4[%dma_start3A_679, %dma_start3A_680] : memref<5120x768xf32, #tpu.memory_space<vmem>> -> memref<160x768xf32, #tpu.memory_space<vmem>>
    tpu.enqueue_dma source(%dma_start3A_681 : memref<160x768xf32, #tpu.memory_space<vmem>>) target(%dma_start3A_678 : memref<160x768xf32, #tpu.memory_space<any>>) target_semaphore(%arg6 : memref<!tpu.dma_semaphore, #tpu.memory_space<semaphore_mem>>)
    %dma_start3A_682 = arith.constant 69632 : i32
    %dma_start3A_683 = arith.constant 0 : i32
    %dma_start3A_684 = tpu.memref_slice %arg3[%dma_start3A_682, %dma_start3A_683] : memref<131072x768xf32, #tpu.memory_space<any>> -> memref<160x768xf32, #tpu.memory_space<any>>
    %dma_start3A_685 = arith.constant 2720 : i32
    %dma_start3A_686 = arith.constant 0 : i32
    %dma_start3A_687 = tpu.memref_slice %arg4[%dma_start3A_685, %dma_start3A_686] : memref<5120x768xf32, #tpu.memory_space<vmem>> -> memref<160x768xf32, #tpu.memory_space<vmem>>
    tpu.enqueue_dma source(%dma_start3A_687 : memref<160x768xf32, #tpu.memory_space<vmem>>) target(%dma_start3A_684 : memref<160x768xf32, #tpu.memory_space<any>>) target_semaphore(%arg6 : memref<!tpu.dma_semaphore, #tpu.memory_space<semaphore_mem>>)
    %dma_start3A_688 = arith.constant 73728 : i32
    %dma_start3A_689 = arith.constant 0 : i32
    %dma_start3A_690 = tpu.memref_slice %arg3[%dma_start3A_688, %dma_start3A_689] : memref<131072x768xf32, #tpu.memory_space<any>> -> memref<160x768xf32, #tpu.memory_space<any>>
    %dma_start3A_691 = arith.constant 2880 : i32
    %dma_start3A_692 = arith.constant 0 : i32
    %dma_start3A_693 = tpu.memref_slice %arg4[%dma_start3A_691, %dma_start3A_692] : memref<5120x768xf32, #tpu.memory_space<vmem>> -> memref<160x768xf32, #tpu.memory_space<vmem>>
    tpu.enqueue_dma source(%dma_start3A_693 : memref<160x768xf32, #tpu.memory_space<vmem>>) target(%dma_start3A_690 : memref<160x768xf32, #tpu.memory_space<any>>) target_semaphore(%arg6 : memref<!tpu.dma_semaphore, #tpu.memory_space<semaphore_mem>>)
    %dma_start3A_694 = arith.constant 77824 : i32
    %dma_start3A_695 = arith.constant 0 : i32
    %dma_start3A_696 = tpu.memref_slice %arg3[%dma_start3A_694, %dma_start3A_695] : memref<131072x768xf32, #tpu.memory_space<any>> -> memref<160x768xf32, #tpu.memory_space<any>>
    %dma_start3A_697 = arith.constant 3040 : i32
    %dma_start3A_698 = arith.constant 0 : i32
    %dma_start3A_699 = tpu.memref_slice %arg4[%dma_start3A_697, %dma_start3A_698] : memref<5120x768xf32, #tpu.memory_space<vmem>> -> memref<160x768xf32, #tpu.memory_space<vmem>>
    tpu.enqueue_dma source(%dma_start3A_699 : memref<160x768xf32, #tpu.memory_space<vmem>>) target(%dma_start3A_696 : memref<160x768xf32, #tpu.memory_space<any>>) target_semaphore(%arg6 : memref<!tpu.dma_semaphore, #tpu.memory_space<semaphore_mem>>)
    %dma_start3A_700 = arith.constant 81920 : i32
    %dma_start3A_701 = arith.constant 0 : i32
    %dma_start3A_702 = tpu.memref_slice %arg3[%dma_start3A_700, %dma_start3A_701] : memref<131072x768xf32, #tpu.memory_space<any>> -> memref<160x768xf32, #tpu.memory_space<any>>
    %dma_start3A_703 = arith.constant 3200 : i32
    %dma_start3A_704 = arith.constant 0 : i32
    %dma_start3A_705 = tpu.memref_slice %arg4[%dma_start3A_703, %dma_start3A_704] : memref<5120x768xf32, #tpu.memory_space<vmem>> -> memref<160x768xf32, #tpu.memory_space<vmem>>
    tpu.enqueue_dma source(%dma_start3A_705 : memref<160x768xf32, #tpu.memory_space<vmem>>) target(%dma_start3A_702 : memref<160x768xf32, #tpu.memory_space<any>>) target_semaphore(%arg6 : memref<!tpu.dma_semaphore, #tpu.memory_space<semaphore_mem>>)
    %dma_start3A_706 = arith.constant 86016 : i32
    %dma_start3A_707 = arith.constant 0 : i32
    %dma_start3A_708 = tpu.memref_slice %arg3[%dma_start3A_706, %dma_start3A_707] : memref<131072x768xf32, #tpu.memory_space<any>> -> memref<160x768xf32, #tpu.memory_space<any>>
    %dma_start3A_709 = arith.constant 3360 : i32
    %dma_start3A_710 = arith.constant 0 : i32
    %dma_start3A_711 = tpu.memref_slice %arg4[%dma_start3A_709, %dma_start3A_710] : memref<5120x768xf32, #tpu.memory_space<vmem>> -> memref<160x768xf32, #tpu.memory_space<vmem>>
    tpu.enqueue_dma source(%dma_start3A_711 : memref<160x768xf32, #tpu.memory_space<vmem>>) target(%dma_start3A_708 : memref<160x768xf32, #tpu.memory_space<any>>) target_semaphore(%arg6 : memref<!tpu.dma_semaphore, #tpu.memory_space<semaphore_mem>>)
    %dma_start3A_712 = arith.constant 90112 : i32
    %dma_start3A_713 = arith.constant 0 : i32
    %dma_start3A_714 = tpu.memref_slice %arg3[%dma_start3A_712, %dma_start3A_713] : memref<131072x768xf32, #tpu.memory_space<any>> -> memref<160x768xf32, #tpu.memory_space<any>>
    %dma_start3A_715 = arith.constant 3520 : i32
    %dma_start3A_716 = arith.constant 0 : i32
    %dma_start3A_717 = tpu.memref_slice %arg4[%dma_start3A_715, %dma_start3A_716] : memref<5120x768xf32, #tpu.memory_space<vmem>> -> memref<160x768xf32, #tpu.memory_space<vmem>>
    tpu.enqueue_dma source(%dma_start3A_717 : memref<160x768xf32, #tpu.memory_space<vmem>>) target(%dma_start3A_714 : memref<160x768xf32, #tpu.memory_space<any>>) target_semaphore(%arg6 : memref<!tpu.dma_semaphore, #tpu.memory_space<semaphore_mem>>)
    %dma_start3A_718 = arith.constant 94208 : i32
    %dma_start3A_719 = arith.constant 0 : i32
    %dma_start3A_720 = tpu.memref_slice %arg3[%dma_start3A_718, %dma_start3A_719] : memref<131072x768xf32, #tpu.memory_space<any>> -> memref<160x768xf32, #tpu.memory_space<any>>
    %dma_start3A_721 = arith.constant 3680 : i32
    %dma_start3A_722 = arith.constant 0 : i32
    %dma_start3A_723 = tpu.memref_slice %arg4[%dma_start3A_721, %dma_start3A_722] : memref<5120x768xf32, #tpu.memory_space<vmem>> -> memref<160x768xf32, #tpu.memory_space<vmem>>
    tpu.enqueue_dma source(%dma_start3A_723 : memref<160x768xf32, #tpu.memory_space<vmem>>) target(%dma_start3A_720 : memref<160x768xf32, #tpu.memory_space<any>>) target_semaphore(%arg6 : memref<!tpu.dma_semaphore, #tpu.memory_space<semaphore_mem>>)
    %dma_start3A_724 = arith.constant 98304 : i32
    %dma_start3A_725 = arith.constant 0 : i32
    %dma_start3A_726 = tpu.memref_slice %arg3[%dma_start3A_724, %dma_start3A_725] : memref<131072x768xf32, #tpu.memory_space<any>> -> memref<160x768xf32, #tpu.memory_space<any>>
    %dma_start3A_727 = arith.constant 3840 : i32
    %dma_start3A_728 = arith.constant 0 : i32
    %dma_start3A_729 = tpu.memref_slice %arg4[%dma_start3A_727, %dma_start3A_728] : memref<5120x768xf32, #tpu.memory_space<vmem>> -> memref<160x768xf32, #tpu.memory_space<vmem>>
    tpu.enqueue_dma source(%dma_start3A_729 : memref<160x768xf32, #tpu.memory_space<vmem>>) target(%dma_start3A_726 : memref<160x768xf32, #tpu.memory_space<any>>) target_semaphore(%arg6 : memref<!tpu.dma_semaphore, #tpu.memory_space<semaphore_mem>>)
    %dma_start3A_730 = arith.constant 102400 : i32
    %dma_start3A_731 = arith.constant 0 : i32
    %dma_start3A_732 = tpu.memref_slice %arg3[%dma_start3A_730, %dma_start3A_731] : memref<131072x768xf32, #tpu.memory_space<any>> -> memref<160x768xf32, #tpu.memory_space<any>>
    %dma_start3A_733 = arith.constant 4000 : i32
    %dma_start3A_734 = arith.constant 0 : i32
    %dma_start3A_735 = tpu.memref_slice %arg4[%dma_start3A_733, %dma_start3A_734] : memref<5120x768xf32, #tpu.memory_space<vmem>> -> memref<160x768xf32, #tpu.memory_space<vmem>>
    tpu.enqueue_dma source(%dma_start3A_735 : memref<160x768xf32, #tpu.memory_space<vmem>>) target(%dma_start3A_732 : memref<160x768xf32, #tpu.memory_space<any>>) target_semaphore(%arg6 : memref<!tpu.dma_semaphore, #tpu.memory_space<semaphore_mem>>)
    %dma_start3A_736 = arith.constant 106496 : i32
    %dma_start3A_737 = arith.constant 0 : i32
    %dma_start3A_738 = tpu.memref_slice %arg3[%dma_start3A_736, %dma_start3A_737] : memref<131072x768xf32, #tpu.memory_space<any>> -> memref<160x768xf32, #tpu.memory_space<any>>
    %dma_start3A_739 = arith.constant 4160 : i32
    %dma_start3A_740 = arith.constant 0 : i32
    %dma_start3A_741 = tpu.memref_slice %arg4[%dma_start3A_739, %dma_start3A_740] : memref<5120x768xf32, #tpu.memory_space<vmem>> -> memref<160x768xf32, #tpu.memory_space<vmem>>
    tpu.enqueue_dma source(%dma_start3A_741 : memref<160x768xf32, #tpu.memory_space<vmem>>) target(%dma_start3A_738 : memref<160x768xf32, #tpu.memory_space<any>>) target_semaphore(%arg6 : memref<!tpu.dma_semaphore, #tpu.memory_space<semaphore_mem>>)
    %dma_start3A_742 = arith.constant 110592 : i32
    %dma_start3A_743 = arith.constant 0 : i32
    %dma_start3A_744 = tpu.memref_slice %arg3[%dma_start3A_742, %dma_start3A_743] : memref<131072x768xf32, #tpu.memory_space<any>> -> memref<160x768xf32, #tpu.memory_space<any>>
    %dma_start3A_745 = arith.constant 4320 : i32
    %dma_start3A_746 = arith.constant 0 : i32
    %dma_start3A_747 = tpu.memref_slice %arg4[%dma_start3A_745, %dma_start3A_746] : memref<5120x768xf32, #tpu.memory_space<vmem>> -> memref<160x768xf32, #tpu.memory_space<vmem>>
    tpu.enqueue_dma source(%dma_start3A_747 : memref<160x768xf32, #tpu.memory_space<vmem>>) target(%dma_start3A_744 : memref<160x768xf32, #tpu.memory_space<any>>) target_semaphore(%arg6 : memref<!tpu.dma_semaphore, #tpu.memory_space<semaphore_mem>>)
    %dma_start3A_748 = arith.constant 114688 : i32
    %dma_start3A_749 = arith.constant 0 : i32
    %dma_start3A_750 = tpu.memref_slice %arg3[%dma_start3A_748, %dma_start3A_749] : memref<131072x768xf32, #tpu.memory_space<any>> -> memref<160x768xf32, #tpu.memory_space<any>>
    %dma_start3A_751 = arith.constant 4480 : i32
    %dma_start3A_752 = arith.constant 0 : i32
    %dma_start3A_753 = tpu.memref_slice %arg4[%dma_start3A_751, %dma_start3A_752] : memref<5120x768xf32, #tpu.memory_space<vmem>> -> memref<160x768xf32, #tpu.memory_space<vmem>>
    tpu.enqueue_dma source(%dma_start3A_753 : memref<160x768xf32, #tpu.memory_space<vmem>>) target(%dma_start3A_750 : memref<160x768xf32, #tpu.memory_space<any>>) target_semaphore(%arg6 : memref<!tpu.dma_semaphore, #tpu.memory_space<semaphore_mem>>)
    %dma_start3A_754 = arith.constant 118784 : i32
    %dma_start3A_755 = arith.constant 0 : i32
    %dma_start3A_756 = tpu.memref_slice %arg3[%dma_start3A_754, %dma_start3A_755] : memref<131072x768xf32, #tpu.memory_space<any>> -> memref<160x768xf32, #tpu.memory_space<any>>
    %dma_start3A_757 = arith.constant 4640 : i32
    %dma_start3A_758 = arith.constant 0 : i32
    %dma_start3A_759 = tpu.memref_slice %arg4[%dma_start3A_757, %dma_start3A_758] : memref<5120x768xf32, #tpu.memory_space<vmem>> -> memref<160x768xf32, #tpu.memory_space<vmem>>
    tpu.enqueue_dma source(%dma_start3A_759 : memref<160x768xf32, #tpu.memory_space<vmem>>) target(%dma_start3A_756 : memref<160x768xf32, #tpu.memory_space<any>>) target_semaphore(%arg6 : memref<!tpu.dma_semaphore, #tpu.memory_space<semaphore_mem>>)
    %dma_start3A_760 = arith.constant 122880 : i32
    %dma_start3A_761 = arith.constant 0 : i32
    %dma_start3A_762 = tpu.memref_slice %arg3[%dma_start3A_760, %dma_start3A_761] : memref<131072x768xf32, #tpu.memory_space<any>> -> memref<160x768xf32, #tpu.memory_space<any>>
    %dma_start3A_763 = arith.constant 4800 : i32
    %dma_start3A_764 = arith.constant 0 : i32
    %dma_start3A_765 = tpu.memref_slice %arg4[%dma_start3A_763, %dma_start3A_764] : memref<5120x768xf32, #tpu.memory_space<vmem>> -> memref<160x768xf32, #tpu.memory_space<vmem>>
    tpu.enqueue_dma source(%dma_start3A_765 : memref<160x768xf32, #tpu.memory_space<vmem>>) target(%dma_start3A_762 : memref<160x768xf32, #tpu.memory_space<any>>) target_semaphore(%arg6 : memref<!tpu.dma_semaphore, #tpu.memory_space<semaphore_mem>>)
    %dma_start3A_766 = arith.constant 126976 : i32
    %dma_start3A_767 = arith.constant 0 : i32
    %dma_start3A_768 = tpu.memref_slice %arg3[%dma_start3A_766, %dma_start3A_767] : memref<131072x768xf32, #tpu.memory_space<any>> -> memref<160x768xf32, #tpu.memory_space<any>>
    %dma_start3A_769 = arith.constant 4960 : i32
    %dma_start3A_770 = arith.constant 0 : i32
    %dma_start3A_771 = tpu.memref_slice %arg4[%dma_start3A_769, %dma_start3A_770] : memref<5120x768xf32, #tpu.memory_space<vmem>> -> memref<160x768xf32, #tpu.memory_space<vmem>>
    tpu.enqueue_dma source(%dma_start3A_771 : memref<160x768xf32, #tpu.memory_space<vmem>>) target(%dma_start3A_768 : memref<160x768xf32, #tpu.memory_space<any>>) target_semaphore(%arg6 : memref<!tpu.dma_semaphore, #tpu.memory_space<semaphore_mem>>)
    %dma_wait3A = arith.constant 160 : i32
    %dma_wait3A_772 = arith.constant 0 : i32
    %dma_wait3A_773 = tpu.memref_slice %arg3[%dma_wait3A, %dma_wait3A_772] : memref<131072x768xf32, #tpu.memory_space<any>> -> memref<1968x768xf32, #tpu.memory_space<any>>
    %dma_wait3A_774 = arith.constant 0 : i32
    %dma_wait3A_775 = arith.constant 0 : i32
    %dma_wait3A_776 = tpu.memref_slice %arg5[%dma_wait3A_774, %dma_wait3A_775] : memref<3936x768xf32, #tpu.memory_space<vmem>> -> memref<1968x768xf32, #tpu.memory_space<vmem>>
    tpu.wait_dma2 semaphore(%arg7 : memref<!tpu.dma_semaphore, #tpu.memory_space<semaphore_mem>>) src(%dma_wait3A_776 : memref<1968x768xf32, #tpu.memory_space<vmem>>) dst(%dma_wait3A_773 : memref<1968x768xf32, #tpu.memory_space<any>>)
    %dma_wait3A_777 = arith.constant 2128 : i32
    %dma_wait3A_778 = arith.constant 0 : i32
    %dma_wait3A_779 = tpu.memref_slice %arg3[%dma_wait3A_777, %dma_wait3A_778] : memref<131072x768xf32, #tpu.memory_space<any>> -> memref<1968x768xf32, #tpu.memory_space<any>>
    %dma_wait3A_780 = arith.constant 1968 : i32
    %dma_wait3A_781 = arith.constant 0 : i32
    %dma_wait3A_782 = tpu.memref_slice %arg5[%dma_wait3A_780, %dma_wait3A_781] : memref<3936x768xf32, #tpu.memory_space<vmem>> -> memref<1968x768xf32, #tpu.memory_space<vmem>>
    tpu.wait_dma2 semaphore(%arg6 : memref<!tpu.dma_semaphore, #tpu.memory_space<semaphore_mem>>) src(%dma_wait3A_782 : memref<1968x768xf32, #tpu.memory_space<vmem>>) dst(%dma_wait3A_779 : memref<1968x768xf32, #tpu.memory_space<any>>)
    %dma_wait3A_783 = arith.constant 4256 : i32
    %dma_wait3A_784 = arith.constant 0 : i32
    %dma_wait3A_785 = tpu.memref_slice %arg3[%dma_wait3A_783, %dma_wait3A_784] : memref<131072x768xf32, #tpu.memory_space<any>> -> memref<1968x768xf32, #tpu.memory_space<any>>
    %dma_wait3A_786 = arith.constant 0 : i32
    %dma_wait3A_787 = arith.constant 0 : i32
    %dma_wait3A_788 = tpu.memref_slice %arg5[%dma_wait3A_786, %dma_wait3A_787] : memref<3936x768xf32, #tpu.memory_space<vmem>> -> memref<1968x768xf32, #tpu.memory_space<vmem>>
    tpu.wait_dma2 semaphore(%arg7 : memref<!tpu.dma_semaphore, #tpu.memory_space<semaphore_mem>>) src(%dma_wait3A_788 : memref<1968x768xf32, #tpu.memory_space<vmem>>) dst(%dma_wait3A_785 : memref<1968x768xf32, #tpu.memory_space<any>>)
    %dma_wait3A_789 = arith.constant 6224 : i32
    %dma_wait3A_790 = arith.constant 0 : i32
    %dma_wait3A_791 = tpu.memref_slice %arg3[%dma_wait3A_789, %dma_wait3A_790] : memref<131072x768xf32, #tpu.memory_space<any>> -> memref<1968x768xf32, #tpu.memory_space<any>>
    %dma_wait3A_792 = arith.constant 1968 : i32
    %dma_wait3A_793 = arith.constant 0 : i32
    %dma_wait3A_794 = tpu.memref_slice %arg5[%dma_wait3A_792, %dma_wait3A_793] : memref<3936x768xf32, #tpu.memory_space<vmem>> -> memref<1968x768xf32, #tpu.memory_space<vmem>>
    tpu.wait_dma2 semaphore(%arg6 : memref<!tpu.dma_semaphore, #tpu.memory_space<semaphore_mem>>) src(%dma_wait3A_794 : memref<1968x768xf32, #tpu.memory_space<vmem>>) dst(%dma_wait3A_791 : memref<1968x768xf32, #tpu.memory_space<any>>)
    %dma_wait3A_795 = arith.constant 8352 : i32
    %dma_wait3A_796 = arith.constant 0 : i32
    %dma_wait3A_797 = tpu.memref_slice %arg3[%dma_wait3A_795, %dma_wait3A_796] : memref<131072x768xf32, #tpu.memory_space<any>> -> memref<1968x768xf32, #tpu.memory_space<any>>
    %dma_wait3A_798 = arith.constant 0 : i32
    %dma_wait3A_799 = arith.constant 0 : i32
    %dma_wait3A_800 = tpu.memref_slice %arg5[%dma_wait3A_798, %dma_wait3A_799] : memref<3936x768xf32, #tpu.memory_space<vmem>> -> memref<1968x768xf32, #tpu.memory_space<vmem>>
    tpu.wait_dma2 semaphore(%arg7 : memref<!tpu.dma_semaphore, #tpu.memory_space<semaphore_mem>>) src(%dma_wait3A_800 : memref<1968x768xf32, #tpu.memory_space<vmem>>) dst(%dma_wait3A_797 : memref<1968x768xf32, #tpu.memory_space<any>>)
    %dma_wait3A_801 = arith.constant 10320 : i32
    %dma_wait3A_802 = arith.constant 0 : i32
    %dma_wait3A_803 = tpu.memref_slice %arg3[%dma_wait3A_801, %dma_wait3A_802] : memref<131072x768xf32, #tpu.memory_space<any>> -> memref<1968x768xf32, #tpu.memory_space<any>>
    %dma_wait3A_804 = arith.constant 1968 : i32
    %dma_wait3A_805 = arith.constant 0 : i32
    %dma_wait3A_806 = tpu.memref_slice %arg5[%dma_wait3A_804, %dma_wait3A_805] : memref<3936x768xf32, #tpu.memory_space<vmem>> -> memref<1968x768xf32, #tpu.memory_space<vmem>>
    tpu.wait_dma2 semaphore(%arg6 : memref<!tpu.dma_semaphore, #tpu.memory_space<semaphore_mem>>) src(%dma_wait3A_806 : memref<1968x768xf32, #tpu.memory_space<vmem>>) dst(%dma_wait3A_803 : memref<1968x768xf32, #tpu.memory_space<any>>)
    %dma_wait3A_807 = arith.constant 12448 : i32
    %dma_wait3A_808 = arith.constant 0 : i32
    %dma_wait3A_809 = tpu.memref_slice %arg3[%dma_wait3A_807, %dma_wait3A_808] : memref<131072x768xf32, #tpu.memory_space<any>> -> memref<1968x768xf32, #tpu.memory_space<any>>
    %dma_wait3A_810 = arith.constant 0 : i32
    %dma_wait3A_811 = arith.constant 0 : i32
    %dma_wait3A_812 = tpu.memref_slice %arg5[%dma_wait3A_810, %dma_wait3A_811] : memref<3936x768xf32, #tpu.memory_space<vmem>> -> memref<1968x768xf32, #tpu.memory_space<vmem>>
    tpu.wait_dma2 semaphore(%arg7 : memref<!tpu.dma_semaphore, #tpu.memory_space<semaphore_mem>>) src(%dma_wait3A_812 : memref<1968x768xf32, #tpu.memory_space<vmem>>) dst(%dma_wait3A_809 : memref<1968x768xf32, #tpu.memory_space<any>>)
    %dma_wait3A_813 = arith.constant 14416 : i32
    %dma_wait3A_814 = arith.constant 0 : i32
    %dma_wait3A_815 = tpu.memref_slice %arg3[%dma_wait3A_813, %dma_wait3A_814] : memref<131072x768xf32, #tpu.memory_space<any>> -> memref<1968x768xf32, #tpu.memory_space<any>>
    %dma_wait3A_816 = arith.constant 1968 : i32
    %dma_wait3A_817 = arith.constant 0 : i32
    %dma_wait3A_818 = tpu.memref_slice %arg5[%dma_wait3A_816, %dma_wait3A_817] : memref<3936x768xf32, #tpu.memory_space<vmem>> -> memref<1968x768xf32, #tpu.memory_space<vmem>>
    tpu.wait_dma2 semaphore(%arg6 : memref<!tpu.dma_semaphore, #tpu.memory_space<semaphore_mem>>) src(%dma_wait3A_818 : memref<1968x768xf32, #tpu.memory_space<vmem>>) dst(%dma_wait3A_815 : memref<1968x768xf32, #tpu.memory_space<any>>)
    %dma_wait3A_819 = arith.constant 16544 : i32
    %dma_wait3A_820 = arith.constant 0 : i32
    %dma_wait3A_821 = tpu.memref_slice %arg3[%dma_wait3A_819, %dma_wait3A_820] : memref<131072x768xf32, #tpu.memory_space<any>> -> memref<1968x768xf32, #tpu.memory_space<any>>
    %dma_wait3A_822 = arith.constant 0 : i32
    %dma_wait3A_823 = arith.constant 0 : i32
    %dma_wait3A_824 = tpu.memref_slice %arg5[%dma_wait3A_822, %dma_wait3A_823] : memref<3936x768xf32, #tpu.memory_space<vmem>> -> memref<1968x768xf32, #tpu.memory_space<vmem>>
    tpu.wait_dma2 semaphore(%arg7 : memref<!tpu.dma_semaphore, #tpu.memory_space<semaphore_mem>>) src(%dma_wait3A_824 : memref<1968x768xf32, #tpu.memory_space<vmem>>) dst(%dma_wait3A_821 : memref<1968x768xf32, #tpu.memory_space<any>>)
    %dma_wait3A_825 = arith.constant 18512 : i32
    %dma_wait3A_826 = arith.constant 0 : i32
    %dma_wait3A_827 = tpu.memref_slice %arg3[%dma_wait3A_825, %dma_wait3A_826] : memref<131072x768xf32, #tpu.memory_space<any>> -> memref<1968x768xf32, #tpu.memory_space<any>>
    %dma_wait3A_828 = arith.constant 1968 : i32
    %dma_wait3A_829 = arith.constant 0 : i32
    %dma_wait3A_830 = tpu.memref_slice %arg5[%dma_wait3A_828, %dma_wait3A_829] : memref<3936x768xf32, #tpu.memory_space<vmem>> -> memref<1968x768xf32, #tpu.memory_space<vmem>>
    tpu.wait_dma2 semaphore(%arg6 : memref<!tpu.dma_semaphore, #tpu.memory_space<semaphore_mem>>) src(%dma_wait3A_830 : memref<1968x768xf32, #tpu.memory_space<vmem>>) dst(%dma_wait3A_827 : memref<1968x768xf32, #tpu.memory_space<any>>)
    %dma_wait3A_831 = arith.constant 20640 : i32
    %dma_wait3A_832 = arith.constant 0 : i32
    %dma_wait3A_833 = tpu.memref_slice %arg3[%dma_wait3A_831, %dma_wait3A_832] : memref<131072x768xf32, #tpu.memory_space<any>> -> memref<1968x768xf32, #tpu.memory_space<any>>
    %dma_wait3A_834 = arith.constant 0 : i32
    %dma_wait3A_835 = arith.constant 0 : i32
    %dma_wait3A_836 = tpu.memref_slice %arg5[%dma_wait3A_834, %dma_wait3A_835] : memref<3936x768xf32, #tpu.memory_space<vmem>> -> memref<1968x768xf32, #tpu.memory_space<vmem>>
    tpu.wait_dma2 semaphore(%arg7 : memref<!tpu.dma_semaphore, #tpu.memory_space<semaphore_mem>>) src(%dma_wait3A_836 : memref<1968x768xf32, #tpu.memory_space<vmem>>) dst(%dma_wait3A_833 : memref<1968x768xf32, #tpu.memory_space<any>>)
    %dma_wait3A_837 = arith.constant 22608 : i32
    %dma_wait3A_838 = arith.constant 0 : i32
    %dma_wait3A_839 = tpu.memref_slice %arg3[%dma_wait3A_837, %dma_wait3A_838] : memref<131072x768xf32, #tpu.memory_space<any>> -> memref<1968x768xf32, #tpu.memory_space<any>>
    %dma_wait3A_840 = arith.constant 1968 : i32
    %dma_wait3A_841 = arith.constant 0 : i32
    %dma_wait3A_842 = tpu.memref_slice %arg5[%dma_wait3A_840, %dma_wait3A_841] : memref<3936x768xf32, #tpu.memory_space<vmem>> -> memref<1968x768xf32, #tpu.memory_space<vmem>>
    tpu.wait_dma2 semaphore(%arg6 : memref<!tpu.dma_semaphore, #tpu.memory_space<semaphore_mem>>) src(%dma_wait3A_842 : memref<1968x768xf32, #tpu.memory_space<vmem>>) dst(%dma_wait3A_839 : memref<1968x768xf32, #tpu.memory_space<any>>)
    %dma_wait3A_843 = arith.constant 24736 : i32
    %dma_wait3A_844 = arith.constant 0 : i32
    %dma_wait3A_845 = tpu.memref_slice %arg3[%dma_wait3A_843, %dma_wait3A_844] : memref<131072x768xf32, #tpu.memory_space<any>> -> memref<1968x768xf32, #tpu.memory_space<any>>
    %dma_wait3A_846 = arith.constant 0 : i32
    %dma_wait3A_847 = arith.constant 0 : i32
    %dma_wait3A_848 = tpu.memref_slice %arg5[%dma_wait3A_846, %dma_wait3A_847] : memref<3936x768xf32, #tpu.memory_space<vmem>> -> memref<1968x768xf32, #tpu.memory_space<vmem>>
    tpu.wait_dma2 semaphore(%arg7 : memref<!tpu.dma_semaphore, #tpu.memory_space<semaphore_mem>>) src(%dma_wait3A_848 : memref<1968x768xf32, #tpu.memory_space<vmem>>) dst(%dma_wait3A_845 : memref<1968x768xf32, #tpu.memory_space<any>>)
    %dma_wait3A_849 = arith.constant 26704 : i32
    %dma_wait3A_850 = arith.constant 0 : i32
    %dma_wait3A_851 = tpu.memref_slice %arg3[%dma_wait3A_849, %dma_wait3A_850] : memref<131072x768xf32, #tpu.memory_space<any>> -> memref<1968x768xf32, #tpu.memory_space<any>>
    %dma_wait3A_852 = arith.constant 1968 : i32
    %dma_wait3A_853 = arith.constant 0 : i32
    %dma_wait3A_854 = tpu.memref_slice %arg5[%dma_wait3A_852, %dma_wait3A_853] : memref<3936x768xf32, #tpu.memory_space<vmem>> -> memref<1968x768xf32, #tpu.memory_space<vmem>>
    tpu.wait_dma2 semaphore(%arg6 : memref<!tpu.dma_semaphore, #tpu.memory_space<semaphore_mem>>) src(%dma_wait3A_854 : memref<1968x768xf32, #tpu.memory_space<vmem>>) dst(%dma_wait3A_851 : memref<1968x768xf32, #tpu.memory_space<any>>)
    %dma_wait3A_855 = arith.constant 28832 : i32
    %dma_wait3A_856 = arith.constant 0 : i32
    %dma_wait3A_857 = tpu.memref_slice %arg3[%dma_wait3A_855, %dma_wait3A_856] : memref<131072x768xf32, #tpu.memory_space<any>> -> memref<1968x768xf32, #tpu.memory_space<any>>
    %dma_wait3A_858 = arith.constant 0 : i32
    %dma_wait3A_859 = arith.constant 0 : i32
    %dma_wait3A_860 = tpu.memref_slice %arg5[%dma_wait3A_858, %dma_wait3A_859] : memref<3936x768xf32, #tpu.memory_space<vmem>> -> memref<1968x768xf32, #tpu.memory_space<vmem>>
    tpu.wait_dma2 semaphore(%arg7 : memref<!tpu.dma_semaphore, #tpu.memory_space<semaphore_mem>>) src(%dma_wait3A_860 : memref<1968x768xf32, #tpu.memory_space<vmem>>) dst(%dma_wait3A_857 : memref<1968x768xf32, #tpu.memory_space<any>>)
    %dma_wait3A_861 = arith.constant 30800 : i32
    %dma_wait3A_862 = arith.constant 0 : i32
    %dma_wait3A_863 = tpu.memref_slice %arg3[%dma_wait3A_861, %dma_wait3A_862] : memref<131072x768xf32, #tpu.memory_space<any>> -> memref<1968x768xf32, #tpu.memory_space<any>>
    %dma_wait3A_864 = arith.constant 1968 : i32
    %dma_wait3A_865 = arith.constant 0 : i32
    %dma_wait3A_866 = tpu.memref_slice %arg5[%dma_wait3A_864, %dma_wait3A_865] : memref<3936x768xf32, #tpu.memory_space<vmem>> -> memref<1968x768xf32, #tpu.memory_space<vmem>>
    tpu.wait_dma2 semaphore(%arg6 : memref<!tpu.dma_semaphore, #tpu.memory_space<semaphore_mem>>) src(%dma_wait3A_866 : memref<1968x768xf32, #tpu.memory_space<vmem>>) dst(%dma_wait3A_863 : memref<1968x768xf32, #tpu.memory_space<any>>)
    %dma_wait3A_867 = arith.constant 32928 : i32
    %dma_wait3A_868 = arith.constant 0 : i32
    %dma_wait3A_869 = tpu.memref_slice %arg3[%dma_wait3A_867, %dma_wait3A_868] : memref<131072x768xf32, #tpu.memory_space<any>> -> memref<1968x768xf32, #tpu.memory_space<any>>
    %dma_wait3A_870 = arith.constant 0 : i32
    %dma_wait3A_871 = arith.constant 0 : i32
    %dma_wait3A_872 = tpu.memref_slice %arg5[%dma_wait3A_870, %dma_wait3A_871] : memref<3936x768xf32, #tpu.memory_space<vmem>> -> memref<1968x768xf32, #tpu.memory_space<vmem>>
    tpu.wait_dma2 semaphore(%arg7 : memref<!tpu.dma_semaphore, #tpu.memory_space<semaphore_mem>>) src(%dma_wait3A_872 : memref<1968x768xf32, #tpu.memory_space<vmem>>) dst(%dma_wait3A_869 : memref<1968x768xf32, #tpu.memory_space<any>>)
    %dma_wait3A_873 = arith.constant 34896 : i32
    %dma_wait3A_874 = arith.constant 0 : i32
    %dma_wait3A_875 = tpu.memref_slice %arg3[%dma_wait3A_873, %dma_wait3A_874] : memref<131072x768xf32, #tpu.memory_space<any>> -> memref<1968x768xf32, #tpu.memory_space<any>>
    %dma_wait3A_876 = arith.constant 1968 : i32
    %dma_wait3A_877 = arith.constant 0 : i32
    %dma_wait3A_878 = tpu.memref_slice %arg5[%dma_wait3A_876, %dma_wait3A_877] : memref<3936x768xf32, #tpu.memory_space<vmem>> -> memref<1968x768xf32, #tpu.memory_space<vmem>>
    tpu.wait_dma2 semaphore(%arg6 : memref<!tpu.dma_semaphore, #tpu.memory_space<semaphore_mem>>) src(%dma_wait3A_878 : memref<1968x768xf32, #tpu.memory_space<vmem>>) dst(%dma_wait3A_875 : memref<1968x768xf32, #tpu.memory_space<any>>)
    %dma_wait3A_879 = arith.constant 37024 : i32
    %dma_wait3A_880 = arith.constant 0 : i32
    %dma_wait3A_881 = tpu.memref_slice %arg3[%dma_wait3A_879, %dma_wait3A_880] : memref<131072x768xf32, #tpu.memory_space<any>> -> memref<1968x768xf32, #tpu.memory_space<any>>
    %dma_wait3A_882 = arith.constant 0 : i32
    %dma_wait3A_883 = arith.constant 0 : i32
    %dma_wait3A_884 = tpu.memref_slice %arg5[%dma_wait3A_882, %dma_wait3A_883] : memref<3936x768xf32, #tpu.memory_space<vmem>> -> memref<1968x768xf32, #tpu.memory_space<vmem>>
    tpu.wait_dma2 semaphore(%arg7 : memref<!tpu.dma_semaphore, #tpu.memory_space<semaphore_mem>>) src(%dma_wait3A_884 : memref<1968x768xf32, #tpu.memory_space<vmem>>) dst(%dma_wait3A_881 : memref<1968x768xf32, #tpu.memory_space<any>>)
    %dma_wait3A_885 = arith.constant 38992 : i32
    %dma_wait3A_886 = arith.constant 0 : i32
    %dma_wait3A_887 = tpu.memref_slice %arg3[%dma_wait3A_885, %dma_wait3A_886] : memref<131072x768xf32, #tpu.memory_space<any>> -> memref<1968x768xf32, #tpu.memory_space<any>>
    %dma_wait3A_888 = arith.constant 1968 : i32
    %dma_wait3A_889 = arith.constant 0 : i32
    %dma_wait3A_890 = tpu.memref_slice %arg5[%dma_wait3A_888, %dma_wait3A_889] : memref<3936x768xf32, #tpu.memory_space<vmem>> -> memref<1968x768xf32, #tpu.memory_space<vmem>>
    tpu.wait_dma2 semaphore(%arg6 : memref<!tpu.dma_semaphore, #tpu.memory_space<semaphore_mem>>) src(%dma_wait3A_890 : memref<1968x768xf32, #tpu.memory_space<vmem>>) dst(%dma_wait3A_887 : memref<1968x768xf32, #tpu.memory_space<any>>)
    %dma_wait3A_891 = arith.constant 41120 : i32
    %dma_wait3A_892 = arith.constant 0 : i32
    %dma_wait3A_893 = tpu.memref_slice %arg3[%dma_wait3A_891, %dma_wait3A_892] : memref<131072x768xf32, #tpu.memory_space<any>> -> memref<1968x768xf32, #tpu.memory_space<any>>
    %dma_wait3A_894 = arith.constant 0 : i32
    %dma_wait3A_895 = arith.constant 0 : i32
    %dma_wait3A_896 = tpu.memref_slice %arg5[%dma_wait3A_894, %dma_wait3A_895] : memref<3936x768xf32, #tpu.memory_space<vmem>> -> memref<1968x768xf32, #tpu.memory_space<vmem>>
    tpu.wait_dma2 semaphore(%arg7 : memref<!tpu.dma_semaphore, #tpu.memory_space<semaphore_mem>>) src(%dma_wait3A_896 : memref<1968x768xf32, #tpu.memory_space<vmem>>) dst(%dma_wait3A_893 : memref<1968x768xf32, #tpu.memory_space<any>>)
    %dma_wait3A_897 = arith.constant 43088 : i32
    %dma_wait3A_898 = arith.constant 0 : i32
    %dma_wait3A_899 = tpu.memref_slice %arg3[%dma_wait3A_897, %dma_wait3A_898] : memref<131072x768xf32, #tpu.memory_space<any>> -> memref<1968x768xf32, #tpu.memory_space<any>>
    %dma_wait3A_900 = arith.constant 1968 : i32
    %dma_wait3A_901 = arith.constant 0 : i32
    %dma_wait3A_902 = tpu.memref_slice %arg5[%dma_wait3A_900, %dma_wait3A_901] : memref<3936x768xf32, #tpu.memory_space<vmem>> -> memref<1968x768xf32, #tpu.memory_space<vmem>>
    tpu.wait_dma2 semaphore(%arg6 : memref<!tpu.dma_semaphore, #tpu.memory_space<semaphore_mem>>) src(%dma_wait3A_902 : memref<1968x768xf32, #tpu.memory_space<vmem>>) dst(%dma_wait3A_899 : memref<1968x768xf32, #tpu.memory_space<any>>)
    %dma_wait3A_903 = arith.constant 45216 : i32
    %dma_wait3A_904 = arith.constant 0 : i32
    %dma_wait3A_905 = tpu.memref_slice %arg3[%dma_wait3A_903, %dma_wait3A_904] : memref<131072x768xf32, #tpu.memory_space<any>> -> memref<1968x768xf32, #tpu.memory_space<any>>
    %dma_wait3A_906 = arith.constant 0 : i32
    %dma_wait3A_907 = arith.constant 0 : i32
    %dma_wait3A_908 = tpu.memref_slice %arg5[%dma_wait3A_906, %dma_wait3A_907] : memref<3936x768xf32, #tpu.memory_space<vmem>> -> memref<1968x768xf32, #tpu.memory_space<vmem>>
    tpu.wait_dma2 semaphore(%arg7 : memref<!tpu.dma_semaphore, #tpu.memory_space<semaphore_mem>>) src(%dma_wait3A_908 : memref<1968x768xf32, #tpu.memory_space<vmem>>) dst(%dma_wait3A_905 : memref<1968x768xf32, #tpu.memory_space<any>>)
    %dma_wait3A_909 = arith.constant 47184 : i32
    %dma_wait3A_910 = arith.constant 0 : i32
    %dma_wait3A_911 = tpu.memref_slice %arg3[%dma_wait3A_909, %dma_wait3A_910] : memref<131072x768xf32, #tpu.memory_space<any>> -> memref<1968x768xf32, #tpu.memory_space<any>>
    %dma_wait3A_912 = arith.constant 1968 : i32
    %dma_wait3A_913 = arith.constant 0 : i32
    %dma_wait3A_914 = tpu.memref_slice %arg5[%dma_wait3A_912, %dma_wait3A_913] : memref<3936x768xf32, #tpu.memory_space<vmem>> -> memref<1968x768xf32, #tpu.memory_space<vmem>>
    tpu.wait_dma2 semaphore(%arg6 : memref<!tpu.dma_semaphore, #tpu.memory_space<semaphore_mem>>) src(%dma_wait3A_914 : memref<1968x768xf32, #tpu.memory_space<vmem>>) dst(%dma_wait3A_911 : memref<1968x768xf32, #tpu.memory_space<any>>)
    %dma_wait3A_915 = arith.constant 49312 : i32
    %dma_wait3A_916 = arith.constant 0 : i32
    %dma_wait3A_917 = tpu.memref_slice %arg3[%dma_wait3A_915, %dma_wait3A_916] : memref<131072x768xf32, #tpu.memory_space<any>> -> memref<1968x768xf32, #tpu.memory_space<any>>
    %dma_wait3A_918 = arith.constant 0 : i32
    %dma_wait3A_919 = arith.constant 0 : i32
    %dma_wait3A_920 = tpu.memref_slice %arg5[%dma_wait3A_918, %dma_wait3A_919] : memref<3936x768xf32, #tpu.memory_space<vmem>> -> memref<1968x768xf32, #tpu.memory_space<vmem>>
    tpu.wait_dma2 semaphore(%arg7 : memref<!tpu.dma_semaphore, #tpu.memory_space<semaphore_mem>>) src(%dma_wait3A_920 : memref<1968x768xf32, #tpu.memory_space<vmem>>) dst(%dma_wait3A_917 : memref<1968x768xf32, #tpu.memory_space<any>>)
    %dma_wait3A_921 = arith.constant 51280 : i32
    %dma_wait3A_922 = arith.constant 0 : i32
    %dma_wait3A_923 = tpu.memref_slice %arg3[%dma_wait3A_921, %dma_wait3A_922] : memref<131072x768xf32, #tpu.memory_space<any>> -> memref<1968x768xf32, #tpu.memory_space<any>>
    %dma_wait3A_924 = arith.constant 1968 : i32
    %dma_wait3A_925 = arith.constant 0 : i32
    %dma_wait3A_926 = tpu.memref_slice %arg5[%dma_wait3A_924, %dma_wait3A_925] : memref<3936x768xf32, #tpu.memory_space<vmem>> -> memref<1968x768xf32, #tpu.memory_space<vmem>>
    tpu.wait_dma2 semaphore(%arg6 : memref<!tpu.dma_semaphore, #tpu.memory_space<semaphore_mem>>) src(%dma_wait3A_926 : memref<1968x768xf32, #tpu.memory_space<vmem>>) dst(%dma_wait3A_923 : memref<1968x768xf32, #tpu.memory_space<any>>)
    %dma_wait3A_927 = arith.constant 53408 : i32
    %dma_wait3A_928 = arith.constant 0 : i32
    %dma_wait3A_929 = tpu.memref_slice %arg3[%dma_wait3A_927, %dma_wait3A_928] : memref<131072x768xf32, #tpu.memory_space<any>> -> memref<1968x768xf32, #tpu.memory_space<any>>
    %dma_wait3A_930 = arith.constant 0 : i32
    %dma_wait3A_931 = arith.constant 0 : i32
    %dma_wait3A_932 = tpu.memref_slice %arg5[%dma_wait3A_930, %dma_wait3A_931] : memref<3936x768xf32, #tpu.memory_space<vmem>> -> memref<1968x768xf32, #tpu.memory_space<vmem>>
    tpu.wait_dma2 semaphore(%arg7 : memref<!tpu.dma_semaphore, #tpu.memory_space<semaphore_mem>>) src(%dma_wait3A_932 : memref<1968x768xf32, #tpu.memory_space<vmem>>) dst(%dma_wait3A_929 : memref<1968x768xf32, #tpu.memory_space<any>>)
    %dma_wait3A_933 = arith.constant 55376 : i32
    %dma_wait3A_934 = arith.constant 0 : i32
    %dma_wait3A_935 = tpu.memref_slice %arg3[%dma_wait3A_933, %dma_wait3A_934] : memref<131072x768xf32, #tpu.memory_space<any>> -> memref<1968x768xf32, #tpu.memory_space<any>>
    %dma_wait3A_936 = arith.constant 1968 : i32
    %dma_wait3A_937 = arith.constant 0 : i32
    %dma_wait3A_938 = tpu.memref_slice %arg5[%dma_wait3A_936, %dma_wait3A_937] : memref<3936x768xf32, #tpu.memory_space<vmem>> -> memref<1968x768xf32, #tpu.memory_space<vmem>>
    tpu.wait_dma2 semaphore(%arg6 : memref<!tpu.dma_semaphore, #tpu.memory_space<semaphore_mem>>) src(%dma_wait3A_938 : memref<1968x768xf32, #tpu.memory_space<vmem>>) dst(%dma_wait3A_935 : memref<1968x768xf32, #tpu.memory_space<any>>)
    %dma_wait3A_939 = arith.constant 57504 : i32
    %dma_wait3A_940 = arith.constant 0 : i32
    %dma_wait3A_941 = tpu.memref_slice %arg3[%dma_wait3A_939, %dma_wait3A_940] : memref<131072x768xf32, #tpu.memory_space<any>> -> memref<1968x768xf32, #tpu.memory_space<any>>
    %dma_wait3A_942 = arith.constant 0 : i32
    %dma_wait3A_943 = arith.constant 0 : i32
    %dma_wait3A_944 = tpu.memref_slice %arg5[%dma_wait3A_942, %dma_wait3A_943] : memref<3936x768xf32, #tpu.memory_space<vmem>> -> memref<1968x768xf32, #tpu.memory_space<vmem>>
    tpu.wait_dma2 semaphore(%arg7 : memref<!tpu.dma_semaphore, #tpu.memory_space<semaphore_mem>>) src(%dma_wait3A_944 : memref<1968x768xf32, #tpu.memory_space<vmem>>) dst(%dma_wait3A_941 : memref<1968x768xf32, #tpu.memory_space<any>>)
    %dma_wait3A_945 = arith.constant 59472 : i32
    %dma_wait3A_946 = arith.constant 0 : i32
    %dma_wait3A_947 = tpu.memref_slice %arg3[%dma_wait3A_945, %dma_wait3A_946] : memref<131072x768xf32, #tpu.memory_space<any>> -> memref<1968x768xf32, #tpu.memory_space<any>>
    %dma_wait3A_948 = arith.constant 1968 : i32
    %dma_wait3A_949 = arith.constant 0 : i32
    %dma_wait3A_950 = tpu.memref_slice %arg5[%dma_wait3A_948, %dma_wait3A_949] : memref<3936x768xf32, #tpu.memory_space<vmem>> -> memref<1968x768xf32, #tpu.memory_space<vmem>>
    tpu.wait_dma2 semaphore(%arg6 : memref<!tpu.dma_semaphore, #tpu.memory_space<semaphore_mem>>) src(%dma_wait3A_950 : memref<1968x768xf32, #tpu.memory_space<vmem>>) dst(%dma_wait3A_947 : memref<1968x768xf32, #tpu.memory_space<any>>)
    %dma_wait3A_951 = arith.constant 61600 : i32
    %dma_wait3A_952 = arith.constant 0 : i32
    %dma_wait3A_953 = tpu.memref_slice %arg3[%dma_wait3A_951, %dma_wait3A_952] : memref<131072x768xf32, #tpu.memory_space<any>> -> memref<1968x768xf32, #tpu.memory_space<any>>
    %dma_wait3A_954 = arith.constant 0 : i32
    %dma_wait3A_955 = arith.constant 0 : i32
    %dma_wait3A_956 = tpu.memref_slice %arg5[%dma_wait3A_954, %dma_wait3A_955] : memref<3936x768xf32, #tpu.memory_space<vmem>> -> memref<1968x768xf32, #tpu.memory_space<vmem>>
    tpu.wait_dma2 semaphore(%arg7 : memref<!tpu.dma_semaphore, #tpu.memory_space<semaphore_mem>>) src(%dma_wait3A_956 : memref<1968x768xf32, #tpu.memory_space<vmem>>) dst(%dma_wait3A_953 : memref<1968x768xf32, #tpu.memory_space<any>>)
    %dma_wait3A_957 = arith.constant 63568 : i32
    %dma_wait3A_958 = arith.constant 0 : i32
    %dma_wait3A_959 = tpu.memref_slice %arg3[%dma_wait3A_957, %dma_wait3A_958] : memref<131072x768xf32, #tpu.memory_space<any>> -> memref<1968x768xf32, #tpu.memory_space<any>>
    %dma_wait3A_960 = arith.constant 1968 : i32
    %dma_wait3A_961 = arith.constant 0 : i32
    %dma_wait3A_962 = tpu.memref_slice %arg5[%dma_wait3A_960, %dma_wait3A_961] : memref<3936x768xf32, #tpu.memory_space<vmem>> -> memref<1968x768xf32, #tpu.memory_space<vmem>>
    tpu.wait_dma2 semaphore(%arg6 : memref<!tpu.dma_semaphore, #tpu.memory_space<semaphore_mem>>) src(%dma_wait3A_962 : memref<1968x768xf32, #tpu.memory_space<vmem>>) dst(%dma_wait3A_959 : memref<1968x768xf32, #tpu.memory_space<any>>)
    %dma_wait3A_963 = arith.constant 65696 : i32
    %dma_wait3A_964 = arith.constant 0 : i32
    %dma_wait3A_965 = tpu.memref_slice %arg3[%dma_wait3A_963, %dma_wait3A_964] : memref<131072x768xf32, #tpu.memory_space<any>> -> memref<1968x768xf32, #tpu.memory_space<any>>
    %dma_wait3A_966 = arith.constant 0 : i32
    %dma_wait3A_967 = arith.constant 0 : i32
    %dma_wait3A_968 = tpu.memref_slice %arg5[%dma_wait3A_966, %dma_wait3A_967] : memref<3936x768xf32, #tpu.memory_space<vmem>> -> memref<1968x768xf32, #tpu.memory_space<vmem>>
    tpu.wait_dma2 semaphore(%arg7 : memref<!tpu.dma_semaphore, #tpu.memory_space<semaphore_mem>>) src(%dma_wait3A_968 : memref<1968x768xf32, #tpu.memory_space<vmem>>) dst(%dma_wait3A_965 : memref<1968x768xf32, #tpu.memory_space<any>>)
    %dma_wait3A_969 = arith.constant 67664 : i32
    %dma_wait3A_970 = arith.constant 0 : i32
    %dma_wait3A_971 = tpu.memref_slice %arg3[%dma_wait3A_969, %dma_wait3A_970] : memref<131072x768xf32, #tpu.memory_space<any>> -> memref<1968x768xf32, #tpu.memory_space<any>>
    %dma_wait3A_972 = arith.constant 1968 : i32
    %dma_wait3A_973 = arith.constant 0 : i32
    %dma_wait3A_974 = tpu.memref_slice %arg5[%dma_wait3A_972, %dma_wait3A_973] : memref<3936x768xf32, #tpu.memory_space<vmem>> -> memref<1968x768xf32, #tpu.memory_space<vmem>>
    tpu.wait_dma2 semaphore(%arg6 : memref<!tpu.dma_semaphore, #tpu.memory_space<semaphore_mem>>) src(%dma_wait3A_974 : memref<1968x768xf32, #tpu.memory_space<vmem>>) dst(%dma_wait3A_971 : memref<1968x768xf32, #tpu.memory_space<any>>)
    %dma_wait3A_975 = arith.constant 69792 : i32
    %dma_wait3A_976 = arith.constant 0 : i32
    %dma_wait3A_977 = tpu.memref_slice %arg3[%dma_wait3A_975, %dma_wait3A_976] : memref<131072x768xf32, #tpu.memory_space<any>> -> memref<1968x768xf32, #tpu.memory_space<any>>
    %dma_wait3A_978 = arith.constant 0 : i32
    %dma_wait3A_979 = arith.constant 0 : i32
    %dma_wait3A_980 = tpu.memref_slice %arg5[%dma_wait3A_978, %dma_wait3A_979] : memref<3936x768xf32, #tpu.memory_space<vmem>> -> memref<1968x768xf32, #tpu.memory_space<vmem>>
    tpu.wait_dma2 semaphore(%arg7 : memref<!tpu.dma_semaphore, #tpu.memory_space<semaphore_mem>>) src(%dma_wait3A_980 : memref<1968x768xf32, #tpu.memory_space<vmem>>) dst(%dma_wait3A_977 : memref<1968x768xf32, #tpu.memory_space<any>>)
    %dma_wait3A_981 = arith.constant 71760 : i32
    %dma_wait3A_982 = arith.constant 0 : i32
    %dma_wait3A_983 = tpu.memref_slice %arg3[%dma_wait3A_981, %dma_wait3A_982] : memref<131072x768xf32, #tpu.memory_space<any>> -> memref<1968x768xf32, #tpu.memory_space<any>>
    %dma_wait3A_984 = arith.constant 1968 : i32
    %dma_wait3A_985 = arith.constant 0 : i32
    %dma_wait3A_986 = tpu.memref_slice %arg5[%dma_wait3A_984, %dma_wait3A_985] : memref<3936x768xf32, #tpu.memory_space<vmem>> -> memref<1968x768xf32, #tpu.memory_space<vmem>>
    tpu.wait_dma2 semaphore(%arg6 : memref<!tpu.dma_semaphore, #tpu.memory_space<semaphore_mem>>) src(%dma_wait3A_986 : memref<1968x768xf32, #tpu.memory_space<vmem>>) dst(%dma_wait3A_983 : memref<1968x768xf32, #tpu.memory_space<any>>)
    %dma_wait3A_987 = arith.constant 73888 : i32
    %dma_wait3A_988 = arith.constant 0 : i32
    %dma_wait3A_989 = tpu.memref_slice %arg3[%dma_wait3A_987, %dma_wait3A_988] : memref<131072x768xf32, #tpu.memory_space<any>> -> memref<1968x768xf32, #tpu.memory_space<any>>
    %dma_wait3A_990 = arith.constant 0 : i32
    %dma_wait3A_991 = arith.constant 0 : i32
    %dma_wait3A_992 = tpu.memref_slice %arg5[%dma_wait3A_990, %dma_wait3A_991] : memref<3936x768xf32, #tpu.memory_space<vmem>> -> memref<1968x768xf32, #tpu.memory_space<vmem>>
    tpu.wait_dma2 semaphore(%arg7 : memref<!tpu.dma_semaphore, #tpu.memory_space<semaphore_mem>>) src(%dma_wait3A_992 : memref<1968x768xf32, #tpu.memory_space<vmem>>) dst(%dma_wait3A_989 : memref<1968x768xf32, #tpu.memory_space<any>>)
    %dma_wait3A_993 = arith.constant 75856 : i32
    %dma_wait3A_994 = arith.constant 0 : i32
    %dma_wait3A_995 = tpu.memref_slice %arg3[%dma_wait3A_993, %dma_wait3A_994] : memref<131072x768xf32, #tpu.memory_space<any>> -> memref<1968x768xf32, #tpu.memory_space<any>>
    %dma_wait3A_996 = arith.constant 1968 : i32
    %dma_wait3A_997 = arith.constant 0 : i32
    %dma_wait3A_998 = tpu.memref_slice %arg5[%dma_wait3A_996, %dma_wait3A_997] : memref<3936x768xf32, #tpu.memory_space<vmem>> -> memref<1968x768xf32, #tpu.memory_space<vmem>>
    tpu.wait_dma2 semaphore(%arg6 : memref<!tpu.dma_semaphore, #tpu.memory_space<semaphore_mem>>) src(%dma_wait3A_998 : memref<1968x768xf32, #tpu.memory_space<vmem>>) dst(%dma_wait3A_995 : memref<1968x768xf32, #tpu.memory_space<any>>)
    %dma_wait3A_999 = arith.constant 77984 : i32
    %dma_wait3A_1000 = arith.constant 0 : i32
    %dma_wait3A_1001 = tpu.memref_slice %arg3[%dma_wait3A_999, %dma_wait3A_1000] : memref<131072x768xf32, #tpu.memory_space<any>> -> memref<1968x768xf32, #tpu.memory_space<any>>
    %dma_wait3A_1002 = arith.constant 0 : i32
    %dma_wait3A_1003 = arith.constant 0 : i32
    %dma_wait3A_1004 = tpu.memref_slice %arg5[%dma_wait3A_1002, %dma_wait3A_1003] : memref<3936x768xf32, #tpu.memory_space<vmem>> -> memref<1968x768xf32, #tpu.memory_space<vmem>>
    tpu.wait_dma2 semaphore(%arg7 : memref<!tpu.dma_semaphore, #tpu.memory_space<semaphore_mem>>) src(%dma_wait3A_1004 : memref<1968x768xf32, #tpu.memory_space<vmem>>) dst(%dma_wait3A_1001 : memref<1968x768xf32, #tpu.memory_space<any>>)
    %dma_wait3A_1005 = arith.constant 79952 : i32
    %dma_wait3A_1006 = arith.constant 0 : i32
    %dma_wait3A_1007 = tpu.memref_slice %arg3[%dma_wait3A_1005, %dma_wait3A_1006] : memref<131072x768xf32, #tpu.memory_space<any>> -> memref<1968x768xf32, #tpu.memory_space<any>>
    %dma_wait3A_1008 = arith.constant 1968 : i32
    %dma_wait3A_1009 = arith.constant 0 : i32
    %dma_wait3A_1010 = tpu.memref_slice %arg5[%dma_wait3A_1008, %dma_wait3A_1009] : memref<3936x768xf32, #tpu.memory_space<vmem>> -> memref<1968x768xf32, #tpu.memory_space<vmem>>
    tpu.wait_dma2 semaphore(%arg6 : memref<!tpu.dma_semaphore, #tpu.memory_space<semaphore_mem>>) src(%dma_wait3A_1010 : memref<1968x768xf32, #tpu.memory_space<vmem>>) dst(%dma_wait3A_1007 : memref<1968x768xf32, #tpu.memory_space<any>>)
    %dma_wait3A_1011 = arith.constant 82080 : i32
    %dma_wait3A_1012 = arith.constant 0 : i32
    %dma_wait3A_1013 = tpu.memref_slice %arg3[%dma_wait3A_1011, %dma_wait3A_1012] : memref<131072x768xf32, #tpu.memory_space<any>> -> memref<1968x768xf32, #tpu.memory_space<any>>
    %dma_wait3A_1014 = arith.constant 0 : i32
    %dma_wait3A_1015 = arith.constant 0 : i32
    %dma_wait3A_1016 = tpu.memref_slice %arg5[%dma_wait3A_1014, %dma_wait3A_1015] : memref<3936x768xf32, #tpu.memory_space<vmem>> -> memref<1968x768xf32, #tpu.memory_space<vmem>>
    tpu.wait_dma2 semaphore(%arg7 : memref<!tpu.dma_semaphore, #tpu.memory_space<semaphore_mem>>) src(%dma_wait3A_1016 : memref<1968x768xf32, #tpu.memory_space<vmem>>) dst(%dma_wait3A_1013 : memref<1968x768xf32, #tpu.memory_space<any>>)
    %dma_wait3A_1017 = arith.constant 84048 : i32
    %dma_wait3A_1018 = arith.constant 0 : i32
    %dma_wait3A_1019 = tpu.memref_slice %arg3[%dma_wait3A_1017, %dma_wait3A_1018] : memref<131072x768xf32, #tpu.memory_space<any>> -> memref<1968x768xf32, #tpu.memory_space<any>>
    %dma_wait3A_1020 = arith.constant 1968 : i32
    %dma_wait3A_1021 = arith.constant 0 : i32
    %dma_wait3A_1022 = tpu.memref_slice %arg5[%dma_wait3A_1020, %dma_wait3A_1021] : memref<3936x768xf32, #tpu.memory_space<vmem>> -> memref<1968x768xf32, #tpu.memory_space<vmem>>
    tpu.wait_dma2 semaphore(%arg6 : memref<!tpu.dma_semaphore, #tpu.memory_space<semaphore_mem>>) src(%dma_wait3A_1022 : memref<1968x768xf32, #tpu.memory_space<vmem>>) dst(%dma_wait3A_1019 : memref<1968x768xf32, #tpu.memory_space<any>>)
    %dma_wait3A_1023 = arith.constant 86176 : i32
    %dma_wait3A_1024 = arith.constant 0 : i32
    %dma_wait3A_1025 = tpu.memref_slice %arg3[%dma_wait3A_1023, %dma_wait3A_1024] : memref<131072x768xf32, #tpu.memory_space<any>> -> memref<1968x768xf32, #tpu.memory_space<any>>
    %dma_wait3A_1026 = arith.constant 0 : i32
    %dma_wait3A_1027 = arith.constant 0 : i32
    %dma_wait3A_1028 = tpu.memref_slice %arg5[%dma_wait3A_1026, %dma_wait3A_1027] : memref<3936x768xf32, #tpu.memory_space<vmem>> -> memref<1968x768xf32, #tpu.memory_space<vmem>>
    tpu.wait_dma2 semaphore(%arg7 : memref<!tpu.dma_semaphore, #tpu.memory_space<semaphore_mem>>) src(%dma_wait3A_1028 : memref<1968x768xf32, #tpu.memory_space<vmem>>) dst(%dma_wait3A_1025 : memref<1968x768xf32, #tpu.memory_space<any>>)
    %dma_wait3A_1029 = arith.constant 88144 : i32
    %dma_wait3A_1030 = arith.constant 0 : i32
    %dma_wait3A_1031 = tpu.memref_slice %arg3[%dma_wait3A_1029, %dma_wait3A_1030] : memref<131072x768xf32, #tpu.memory_space<any>> -> memref<1968x768xf32, #tpu.memory_space<any>>
    %dma_wait3A_1032 = arith.constant 1968 : i32
    %dma_wait3A_1033 = arith.constant 0 : i32
    %dma_wait3A_1034 = tpu.memref_slice %arg5[%dma_wait3A_1032, %dma_wait3A_1033] : memref<3936x768xf32, #tpu.memory_space<vmem>> -> memref<1968x768xf32, #tpu.memory_space<vmem>>
    tpu.wait_dma2 semaphore(%arg6 : memref<!tpu.dma_semaphore, #tpu.memory_space<semaphore_mem>>) src(%dma_wait3A_1034 : memref<1968x768xf32, #tpu.memory_space<vmem>>) dst(%dma_wait3A_1031 : memref<1968x768xf32, #tpu.memory_space<any>>)
    %dma_wait3A_1035 = arith.constant 90272 : i32
    %dma_wait3A_1036 = arith.constant 0 : i32
    %dma_wait3A_1037 = tpu.memref_slice %arg3[%dma_wait3A_1035, %dma_wait3A_1036] : memref<131072x768xf32, #tpu.memory_space<any>> -> memref<1968x768xf32, #tpu.memory_space<any>>
    %dma_wait3A_1038 = arith.constant 0 : i32
    %dma_wait3A_1039 = arith.constant 0 : i32
    %dma_wait3A_1040 = tpu.memref_slice %arg5[%dma_wait3A_1038, %dma_wait3A_1039] : memref<3936x768xf32, #tpu.memory_space<vmem>> -> memref<1968x768xf32, #tpu.memory_space<vmem>>
    tpu.wait_dma2 semaphore(%arg7 : memref<!tpu.dma_semaphore, #tpu.memory_space<semaphore_mem>>) src(%dma_wait3A_1040 : memref<1968x768xf32, #tpu.memory_space<vmem>>) dst(%dma_wait3A_1037 : memref<1968x768xf32, #tpu.memory_space<any>>)
    %dma_wait3A_1041 = arith.constant 92240 : i32
    %dma_wait3A_1042 = arith.constant 0 : i32
    %dma_wait3A_1043 = tpu.memref_slice %arg3[%dma_wait3A_1041, %dma_wait3A_1042] : memref<131072x768xf32, #tpu.memory_space<any>> -> memref<1968x768xf32, #tpu.memory_space<any>>
    %dma_wait3A_1044 = arith.constant 1968 : i32
    %dma_wait3A_1045 = arith.constant 0 : i32
    %dma_wait3A_1046 = tpu.memref_slice %arg5[%dma_wait3A_1044, %dma_wait3A_1045] : memref<3936x768xf32, #tpu.memory_space<vmem>> -> memref<1968x768xf32, #tpu.memory_space<vmem>>
    tpu.wait_dma2 semaphore(%arg6 : memref<!tpu.dma_semaphore, #tpu.memory_space<semaphore_mem>>) src(%dma_wait3A_1046 : memref<1968x768xf32, #tpu.memory_space<vmem>>) dst(%dma_wait3A_1043 : memref<1968x768xf32, #tpu.memory_space<any>>)
    %dma_wait3A_1047 = arith.constant 94368 : i32
    %dma_wait3A_1048 = arith.constant 0 : i32
    %dma_wait3A_1049 = tpu.memref_slice %arg3[%dma_wait3A_1047, %dma_wait3A_1048] : memref<131072x768xf32, #tpu.memory_space<any>> -> memref<1968x768xf32, #tpu.memory_space<any>>
    %dma_wait3A_1050 = arith.constant 0 : i32
    %dma_wait3A_1051 = arith.constant 0 : i32
    %dma_wait3A_1052 = tpu.memref_slice %arg5[%dma_wait3A_1050, %dma_wait3A_1051] : memref<3936x768xf32, #tpu.memory_space<vmem>> -> memref<1968x768xf32, #tpu.memory_space<vmem>>
    tpu.wait_dma2 semaphore(%arg7 : memref<!tpu.dma_semaphore, #tpu.memory_space<semaphore_mem>>) src(%dma_wait3A_1052 : memref<1968x768xf32, #tpu.memory_space<vmem>>) dst(%dma_wait3A_1049 : memref<1968x768xf32, #tpu.memory_space<any>>)
    %dma_wait3A_1053 = arith.constant 96336 : i32
    %dma_wait3A_1054 = arith.constant 0 : i32
    %dma_wait3A_1055 = tpu.memref_slice %arg3[%dma_wait3A_1053, %dma_wait3A_1054] : memref<131072x768xf32, #tpu.memory_space<any>> -> memref<1968x768xf32, #tpu.memory_space<any>>
    %dma_wait3A_1056 = arith.constant 1968 : i32
    %dma_wait3A_1057 = arith.constant 0 : i32
    %dma_wait3A_1058 = tpu.memref_slice %arg5[%dma_wait3A_1056, %dma_wait3A_1057] : memref<3936x768xf32, #tpu.memory_space<vmem>> -> memref<1968x768xf32, #tpu.memory_space<vmem>>
    tpu.wait_dma2 semaphore(%arg6 : memref<!tpu.dma_semaphore, #tpu.memory_space<semaphore_mem>>) src(%dma_wait3A_1058 : memref<1968x768xf32, #tpu.memory_space<vmem>>) dst(%dma_wait3A_1055 : memref<1968x768xf32, #tpu.memory_space<any>>)
    %dma_wait3A_1059 = arith.constant 98464 : i32
    %dma_wait3A_1060 = arith.constant 0 : i32
    %dma_wait3A_1061 = tpu.memref_slice %arg3[%dma_wait3A_1059, %dma_wait3A_1060] : memref<131072x768xf32, #tpu.memory_space<any>> -> memref<1968x768xf32, #tpu.memory_space<any>>
    %dma_wait3A_1062 = arith.constant 0 : i32
    %dma_wait3A_1063 = arith.constant 0 : i32
    %dma_wait3A_1064 = tpu.memref_slice %arg5[%dma_wait3A_1062, %dma_wait3A_1063] : memref<3936x768xf32, #tpu.memory_space<vmem>> -> memref<1968x768xf32, #tpu.memory_space<vmem>>
    tpu.wait_dma2 semaphore(%arg7 : memref<!tpu.dma_semaphore, #tpu.memory_space<semaphore_mem>>) src(%dma_wait3A_1064 : memref<1968x768xf32, #tpu.memory_space<vmem>>) dst(%dma_wait3A_1061 : memref<1968x768xf32, #tpu.memory_space<any>>)
    %dma_wait3A_1065 = arith.constant 100432 : i32
    %dma_wait3A_1066 = arith.constant 0 : i32
    %dma_wait3A_1067 = tpu.memref_slice %arg3[%dma_wait3A_1065, %dma_wait3A_1066] : memref<131072x768xf32, #tpu.memory_space<any>> -> memref<1968x768xf32, #tpu.memory_space<any>>
    %dma_wait3A_1068 = arith.constant 1968 : i32
    %dma_wait3A_1069 = arith.constant 0 : i32
    %dma_wait3A_1070 = tpu.memref_slice %arg5[%dma_wait3A_1068, %dma_wait3A_1069] : memref<3936x768xf32, #tpu.memory_space<vmem>> -> memref<1968x768xf32, #tpu.memory_space<vmem>>
    tpu.wait_dma2 semaphore(%arg6 : memref<!tpu.dma_semaphore, #tpu.memory_space<semaphore_mem>>) src(%dma_wait3A_1070 : memref<1968x768xf32, #tpu.memory_space<vmem>>) dst(%dma_wait3A_1067 : memref<1968x768xf32, #tpu.memory_space<any>>)
    %dma_wait3A_1071 = arith.constant 102560 : i32
    %dma_wait3A_1072 = arith.constant 0 : i32
    %dma_wait3A_1073 = tpu.memref_slice %arg3[%dma_wait3A_1071, %dma_wait3A_1072] : memref<131072x768xf32, #tpu.memory_space<any>> -> memref<1968x768xf32, #tpu.memory_space<any>>
    %dma_wait3A_1074 = arith.constant 0 : i32
    %dma_wait3A_1075 = arith.constant 0 : i32
    %dma_wait3A_1076 = tpu.memref_slice %arg5[%dma_wait3A_1074, %dma_wait3A_1075] : memref<3936x768xf32, #tpu.memory_space<vmem>> -> memref<1968x768xf32, #tpu.memory_space<vmem>>
    tpu.wait_dma2 semaphore(%arg7 : memref<!tpu.dma_semaphore, #tpu.memory_space<semaphore_mem>>) src(%dma_wait3A_1076 : memref<1968x768xf32, #tpu.memory_space<vmem>>) dst(%dma_wait3A_1073 : memref<1968x768xf32, #tpu.memory_space<any>>)
    %dma_wait3A_1077 = arith.constant 104528 : i32
    %dma_wait3A_1078 = arith.constant 0 : i32
    %dma_wait3A_1079 = tpu.memref_slice %arg3[%dma_wait3A_1077, %dma_wait3A_1078] : memref<131072x768xf32, #tpu.memory_space<any>> -> memref<1968x768xf32, #tpu.memory_space<any>>
    %dma_wait3A_1080 = arith.constant 1968 : i32
    %dma_wait3A_1081 = arith.constant 0 : i32
    %dma_wait3A_1082 = tpu.memref_slice %arg5[%dma_wait3A_1080, %dma_wait3A_1081] : memref<3936x768xf32, #tpu.memory_space<vmem>> -> memref<1968x768xf32, #tpu.memory_space<vmem>>
    tpu.wait_dma2 semaphore(%arg6 : memref<!tpu.dma_semaphore, #tpu.memory_space<semaphore_mem>>) src(%dma_wait3A_1082 : memref<1968x768xf32, #tpu.memory_space<vmem>>) dst(%dma_wait3A_1079 : memref<1968x768xf32, #tpu.memory_space<any>>)
    %dma_wait3A_1083 = arith.constant 106656 : i32
    %dma_wait3A_1084 = arith.constant 0 : i32
    %dma_wait3A_1085 = tpu.memref_slice %arg3[%dma_wait3A_1083, %dma_wait3A_1084] : memref<131072x768xf32, #tpu.memory_space<any>> -> memref<1968x768xf32, #tpu.memory_space<any>>
    %dma_wait3A_1086 = arith.constant 0 : i32
    %dma_wait3A_1087 = arith.constant 0 : i32
    %dma_wait3A_1088 = tpu.memref_slice %arg5[%dma_wait3A_1086, %dma_wait3A_1087] : memref<3936x768xf32, #tpu.memory_space<vmem>> -> memref<1968x768xf32, #tpu.memory_space<vmem>>
    tpu.wait_dma2 semaphore(%arg7 : memref<!tpu.dma_semaphore, #tpu.memory_space<semaphore_mem>>) src(%dma_wait3A_1088 : memref<1968x768xf32, #tpu.memory_space<vmem>>) dst(%dma_wait3A_1085 : memref<1968x768xf32, #tpu.memory_space<any>>)
    %dma_wait3A_1089 = arith.constant 108624 : i32
    %dma_wait3A_1090 = arith.constant 0 : i32
    %dma_wait3A_1091 = tpu.memref_slice %arg3[%dma_wait3A_1089, %dma_wait3A_1090] : memref<131072x768xf32, #tpu.memory_space<any>> -> memref<1968x768xf32, #tpu.memory_space<any>>
    %dma_wait3A_1092 = arith.constant 1968 : i32
    %dma_wait3A_1093 = arith.constant 0 : i32
    %dma_wait3A_1094 = tpu.memref_slice %arg5[%dma_wait3A_1092, %dma_wait3A_1093] : memref<3936x768xf32, #tpu.memory_space<vmem>> -> memref<1968x768xf32, #tpu.memory_space<vmem>>
    tpu.wait_dma2 semaphore(%arg6 : memref<!tpu.dma_semaphore, #tpu.memory_space<semaphore_mem>>) src(%dma_wait3A_1094 : memref<1968x768xf32, #tpu.memory_space<vmem>>) dst(%dma_wait3A_1091 : memref<1968x768xf32, #tpu.memory_space<any>>)
    %dma_wait3A_1095 = arith.constant 110752 : i32
    %dma_wait3A_1096 = arith.constant 0 : i32
    %dma_wait3A_1097 = tpu.memref_slice %arg3[%dma_wait3A_1095, %dma_wait3A_1096] : memref<131072x768xf32, #tpu.memory_space<any>> -> memref<1968x768xf32, #tpu.memory_space<any>>
    %dma_wait3A_1098 = arith.constant 0 : i32
    %dma_wait3A_1099 = arith.constant 0 : i32
    %dma_wait3A_1100 = tpu.memref_slice %arg5[%dma_wait3A_1098, %dma_wait3A_1099] : memref<3936x768xf32, #tpu.memory_space<vmem>> -> memref<1968x768xf32, #tpu.memory_space<vmem>>
    tpu.wait_dma2 semaphore(%arg7 : memref<!tpu.dma_semaphore, #tpu.memory_space<semaphore_mem>>) src(%dma_wait3A_1100 : memref<1968x768xf32, #tpu.memory_space<vmem>>) dst(%dma_wait3A_1097 : memref<1968x768xf32, #tpu.memory_space<any>>)
    %dma_wait3A_1101 = arith.constant 112720 : i32
    %dma_wait3A_1102 = arith.constant 0 : i32
    %dma_wait3A_1103 = tpu.memref_slice %arg3[%dma_wait3A_1101, %dma_wait3A_1102] : memref<131072x768xf32, #tpu.memory_space<any>> -> memref<1968x768xf32, #tpu.memory_space<any>>
    %dma_wait3A_1104 = arith.constant 1968 : i32
    %dma_wait3A_1105 = arith.constant 0 : i32
    %dma_wait3A_1106 = tpu.memref_slice %arg5[%dma_wait3A_1104, %dma_wait3A_1105] : memref<3936x768xf32, #tpu.memory_space<vmem>> -> memref<1968x768xf32, #tpu.memory_space<vmem>>
    tpu.wait_dma2 semaphore(%arg6 : memref<!tpu.dma_semaphore, #tpu.memory_space<semaphore_mem>>) src(%dma_wait3A_1106 : memref<1968x768xf32, #tpu.memory_space<vmem>>) dst(%dma_wait3A_1103 : memref<1968x768xf32, #tpu.memory_space<any>>)
    %dma_wait3A_1107 = arith.constant 114848 : i32
    %dma_wait3A_1108 = arith.constant 0 : i32
    %dma_wait3A_1109 = tpu.memref_slice %arg3[%dma_wait3A_1107, %dma_wait3A_1108] : memref<131072x768xf32, #tpu.memory_space<any>> -> memref<1968x768xf32, #tpu.memory_space<any>>
    %dma_wait3A_1110 = arith.constant 0 : i32
    %dma_wait3A_1111 = arith.constant 0 : i32
    %dma_wait3A_1112 = tpu.memref_slice %arg5[%dma_wait3A_1110, %dma_wait3A_1111] : memref<3936x768xf32, #tpu.memory_space<vmem>> -> memref<1968x768xf32, #tpu.memory_space<vmem>>
    tpu.wait_dma2 semaphore(%arg7 : memref<!tpu.dma_semaphore, #tpu.memory_space<semaphore_mem>>) src(%dma_wait3A_1112 : memref<1968x768xf32, #tpu.memory_space<vmem>>) dst(%dma_wait3A_1109 : memref<1968x768xf32, #tpu.memory_space<any>>)
    %dma_wait3A_1113 = arith.constant 116816 : i32
    %dma_wait3A_1114 = arith.constant 0 : i32
    %dma_wait3A_1115 = tpu.memref_slice %arg3[%dma_wait3A_1113, %dma_wait3A_1114] : memref<131072x768xf32, #tpu.memory_space<any>> -> memref<1968x768xf32, #tpu.memory_space<any>>
    %dma_wait3A_1116 = arith.constant 1968 : i32
    %dma_wait3A_1117 = arith.constant 0 : i32
    %dma_wait3A_1118 = tpu.memref_slice %arg5[%dma_wait3A_1116, %dma_wait3A_1117] : memref<3936x768xf32, #tpu.memory_space<vmem>> -> memref<1968x768xf32, #tpu.memory_space<vmem>>
    tpu.wait_dma2 semaphore(%arg6 : memref<!tpu.dma_semaphore, #tpu.memory_space<semaphore_mem>>) src(%dma_wait3A_1118 : memref<1968x768xf32, #tpu.memory_space<vmem>>) dst(%dma_wait3A_1115 : memref<1968x768xf32, #tpu.memory_space<any>>)
    %dma_wait3A_1119 = arith.constant 118944 : i32
    %dma_wait3A_1120 = arith.constant 0 : i32
    %dma_wait3A_1121 = tpu.memref_slice %arg3[%dma_wait3A_1119, %dma_wait3A_1120] : memref<131072x768xf32, #tpu.memory_space<any>> -> memref<1968x768xf32, #tpu.memory_space<any>>
    %dma_wait3A_1122 = arith.constant 0 : i32
    %dma_wait3A_1123 = arith.constant 0 : i32
    %dma_wait3A_1124 = tpu.memref_slice %arg5[%dma_wait3A_1122, %dma_wait3A_1123] : memref<3936x768xf32, #tpu.memory_space<vmem>> -> memref<1968x768xf32, #tpu.memory_space<vmem>>
    tpu.wait_dma2 semaphore(%arg7 : memref<!tpu.dma_semaphore, #tpu.memory_space<semaphore_mem>>) src(%dma_wait3A_1124 : memref<1968x768xf32, #tpu.memory_space<vmem>>) dst(%dma_wait3A_1121 : memref<1968x768xf32, #tpu.memory_space<any>>)
    %dma_wait3A_1125 = arith.constant 120912 : i32
    %dma_wait3A_1126 = arith.constant 0 : i32
    %dma_wait3A_1127 = tpu.memref_slice %arg3[%dma_wait3A_1125, %dma_wait3A_1126] : memref<131072x768xf32, #tpu.memory_space<any>> -> memref<1968x768xf32, #tpu.memory_space<any>>
    %dma_wait3A_1128 = arith.constant 1968 : i32
    %dma_wait3A_1129 = arith.constant 0 : i32
    %dma_wait3A_1130 = tpu.memref_slice %arg5[%dma_wait3A_1128, %dma_wait3A_1129] : memref<3936x768xf32, #tpu.memory_space<vmem>> -> memref<1968x768xf32, #tpu.memory_space<vmem>>
    tpu.wait_dma2 semaphore(%arg6 : memref<!tpu.dma_semaphore, #tpu.memory_space<semaphore_mem>>) src(%dma_wait3A_1130 : memref<1968x768xf32, #tpu.memory_space<vmem>>) dst(%dma_wait3A_1127 : memref<1968x768xf32, #tpu.memory_space<any>>)
    %dma_wait3A_1131 = arith.constant 123040 : i32
    %dma_wait3A_1132 = arith.constant 0 : i32
    %dma_wait3A_1133 = tpu.memref_slice %arg3[%dma_wait3A_1131, %dma_wait3A_1132] : memref<131072x768xf32, #tpu.memory_space<any>> -> memref<1968x768xf32, #tpu.memory_space<any>>
    %dma_wait3A_1134 = arith.constant 0 : i32
    %dma_wait3A_1135 = arith.constant 0 : i32
    %dma_wait3A_1136 = tpu.memref_slice %arg5[%dma_wait3A_1134, %dma_wait3A_1135] : memref<3936x768xf32, #tpu.memory_space<vmem>> -> memref<1968x768xf32, #tpu.memory_space<vmem>>
    tpu.wait_dma2 semaphore(%arg7 : memref<!tpu.dma_semaphore, #tpu.memory_space<semaphore_mem>>) src(%dma_wait3A_1136 : memref<1968x768xf32, #tpu.memory_space<vmem>>) dst(%dma_wait3A_1133 : memref<1968x768xf32, #tpu.memory_space<any>>)
    %dma_wait3A_1137 = arith.constant 125008 : i32
    %dma_wait3A_1138 = arith.constant 0 : i32
    %dma_wait3A_1139 = tpu.memref_slice %arg3[%dma_wait3A_1137, %dma_wait3A_1138] : memref<131072x768xf32, #tpu.memory_space<any>> -> memref<1968x768xf32, #tpu.memory_space<any>>
    %dma_wait3A_1140 = arith.constant 1968 : i32
    %dma_wait3A_1141 = arith.constant 0 : i32
    %dma_wait3A_1142 = tpu.memref_slice %arg5[%dma_wait3A_1140, %dma_wait3A_1141] : memref<3936x768xf32, #tpu.memory_space<vmem>> -> memref<1968x768xf32, #tpu.memory_space<vmem>>
    tpu.wait_dma2 semaphore(%arg6 : memref<!tpu.dma_semaphore, #tpu.memory_space<semaphore_mem>>) src(%dma_wait3A_1142 : memref<1968x768xf32, #tpu.memory_space<vmem>>) dst(%dma_wait3A_1139 : memref<1968x768xf32, #tpu.memory_space<any>>)
    %dma_wait3A_1143 = arith.constant 127136 : i32
    %dma_wait3A_1144 = arith.constant 0 : i32
    %dma_wait3A_1145 = tpu.memref_slice %arg3[%dma_wait3A_1143, %dma_wait3A_1144] : memref<131072x768xf32, #tpu.memory_space<any>> -> memref<1968x768xf32, #tpu.memory_space<any>>
    %dma_wait3A_1146 = arith.constant 0 : i32
    %dma_wait3A_1147 = arith.constant 0 : i32
    %dma_wait3A_1148 = tpu.memref_slice %arg5[%dma_wait3A_1146, %dma_wait3A_1147] : memref<3936x768xf32, #tpu.memory_space<vmem>> -> memref<1968x768xf32, #tpu.memory_space<vmem>>
    tpu.wait_dma2 semaphore(%arg7 : memref<!tpu.dma_semaphore, #tpu.memory_space<semaphore_mem>>) src(%dma_wait3A_1148 : memref<1968x768xf32, #tpu.memory_space<vmem>>) dst(%dma_wait3A_1145 : memref<1968x768xf32, #tpu.memory_space<any>>)
    %dma_wait3A_1149 = arith.constant 129104 : i32
    %dma_wait3A_1150 = arith.constant 0 : i32
    %dma_wait3A_1151 = tpu.memref_slice %arg3[%dma_wait3A_1149, %dma_wait3A_1150] : memref<131072x768xf32, #tpu.memory_space<any>> -> memref<1968x768xf32, #tpu.memory_space<any>>
    %dma_wait3A_1152 = arith.constant 1968 : i32
    %dma_wait3A_1153 = arith.constant 0 : i32
    %dma_wait3A_1154 = tpu.memref_slice %arg5[%dma_wait3A_1152, %dma_wait3A_1153] : memref<3936x768xf32, #tpu.memory_space<vmem>> -> memref<1968x768xf32, #tpu.memory_space<vmem>>
    tpu.wait_dma2 semaphore(%arg6 : memref<!tpu.dma_semaphore, #tpu.memory_space<semaphore_mem>>) src(%dma_wait3A_1154 : memref<1968x768xf32, #tpu.memory_space<vmem>>) dst(%dma_wait3A_1151 : memref<1968x768xf32, #tpu.memory_space<any>>)
    %dma_wait3A_1155 = arith.constant 0 : i32
    %dma_wait3A_1156 = arith.constant 0 : i32
    %dma_wait3A_1157 = tpu.memref_slice %arg3[%dma_wait3A_1155, %dma_wait3A_1156] : memref<131072x768xf32, #tpu.memory_space<any>> -> memref<160x768xf32, #tpu.memory_space<any>>
    %dma_wait3A_1158 = arith.constant 0 : i32
    %dma_wait3A_1159 = arith.constant 0 : i32
    %dma_wait3A_1160 = tpu.memref_slice %arg4[%dma_wait3A_1158, %dma_wait3A_1159] : memref<5120x768xf32, #tpu.memory_space<vmem>> -> memref<160x768xf32, #tpu.memory_space<vmem>>
    tpu.wait_dma2 semaphore(%arg6 : memref<!tpu.dma_semaphore, #tpu.memory_space<semaphore_mem>>) src(%dma_wait3A_1160 : memref<160x768xf32, #tpu.memory_space<vmem>>) dst(%dma_wait3A_1157 : memref<160x768xf32, #tpu.memory_space<any>>)
    %dma_wait3A_1161 = arith.constant 4096 : i32
    %dma_wait3A_1162 = arith.constant 0 : i32
    %dma_wait3A_1163 = tpu.memref_slice %arg3[%dma_wait3A_1161, %dma_wait3A_1162] : memref<131072x768xf32, #tpu.memory_space<any>> -> memref<160x768xf32, #tpu.memory_space<any>>
    %dma_wait3A_1164 = arith.constant 160 : i32
    %dma_wait3A_1165 = arith.constant 0 : i32
    %dma_wait3A_1166 = tpu.memref_slice %arg4[%dma_wait3A_1164, %dma_wait3A_1165] : memref<5120x768xf32, #tpu.memory_space<vmem>> -> memref<160x768xf32, #tpu.memory_space<vmem>>
    tpu.wait_dma2 semaphore(%arg6 : memref<!tpu.dma_semaphore, #tpu.memory_space<semaphore_mem>>) src(%dma_wait3A_1166 : memref<160x768xf32, #tpu.memory_space<vmem>>) dst(%dma_wait3A_1163 : memref<160x768xf32, #tpu.memory_space<any>>)
    %dma_wait3A_1167 = arith.constant 8192 : i32
    %dma_wait3A_1168 = arith.constant 0 : i32
    %dma_wait3A_1169 = tpu.memref_slice %arg3[%dma_wait3A_1167, %dma_wait3A_1168] : memref<131072x768xf32, #tpu.memory_space<any>> -> memref<160x768xf32, #tpu.memory_space<any>>
    %dma_wait3A_1170 = arith.constant 320 : i32
    %dma_wait3A_1171 = arith.constant 0 : i32
    %dma_wait3A_1172 = tpu.memref_slice %arg4[%dma_wait3A_1170, %dma_wait3A_1171] : memref<5120x768xf32, #tpu.memory_space<vmem>> -> memref<160x768xf32, #tpu.memory_space<vmem>>
    tpu.wait_dma2 semaphore(%arg6 : memref<!tpu.dma_semaphore, #tpu.memory_space<semaphore_mem>>) src(%dma_wait3A_1172 : memref<160x768xf32, #tpu.memory_space<vmem>>) dst(%dma_wait3A_1169 : memref<160x768xf32, #tpu.memory_space<any>>)
    %dma_wait3A_1173 = arith.constant 12288 : i32
    %dma_wait3A_1174 = arith.constant 0 : i32
    %dma_wait3A_1175 = tpu.memref_slice %arg3[%dma_wait3A_1173, %dma_wait3A_1174] : memref<131072x768xf32, #tpu.memory_space<any>> -> memref<160x768xf32, #tpu.memory_space<any>>
    %dma_wait3A_1176 = arith.constant 480 : i32
    %dma_wait3A_1177 = arith.constant 0 : i32
    %dma_wait3A_1178 = tpu.memref_slice %arg4[%dma_wait3A_1176, %dma_wait3A_1177] : memref<5120x768xf32, #tpu.memory_space<vmem>> -> memref<160x768xf32, #tpu.memory_space<vmem>>
    tpu.wait_dma2 semaphore(%arg6 : memref<!tpu.dma_semaphore, #tpu.memory_space<semaphore_mem>>) src(%dma_wait3A_1178 : memref<160x768xf32, #tpu.memory_space<vmem>>) dst(%dma_wait3A_1175 : memref<160x768xf32, #tpu.memory_space<any>>)
    %dma_wait3A_1179 = arith.constant 16384 : i32
    %dma_wait3A_1180 = arith.constant 0 : i32
    %dma_wait3A_1181 = tpu.memref_slice %arg3[%dma_wait3A_1179, %dma_wait3A_1180] : memref<131072x768xf32, #tpu.memory_space<any>> -> memref<160x768xf32, #tpu.memory_space<any>>
    %dma_wait3A_1182 = arith.constant 640 : i32
    %dma_wait3A_1183 = arith.constant 0 : i32
    %dma_wait3A_1184 = tpu.memref_slice %arg4[%dma_wait3A_1182, %dma_wait3A_1183] : memref<5120x768xf32, #tpu.memory_space<vmem>> -> memref<160x768xf32, #tpu.memory_space<vmem>>
    tpu.wait_dma2 semaphore(%arg6 : memref<!tpu.dma_semaphore, #tpu.memory_space<semaphore_mem>>) src(%dma_wait3A_1184 : memref<160x768xf32, #tpu.memory_space<vmem>>) dst(%dma_wait3A_1181 : memref<160x768xf32, #tpu.memory_space<any>>)
    %dma_wait3A_1185 = arith.constant 20480 : i32
    %dma_wait3A_1186 = arith.constant 0 : i32
    %dma_wait3A_1187 = tpu.memref_slice %arg3[%dma_wait3A_1185, %dma_wait3A_1186] : memref<131072x768xf32, #tpu.memory_space<any>> -> memref<160x768xf32, #tpu.memory_space<any>>
    %dma_wait3A_1188 = arith.constant 800 : i32
    %dma_wait3A_1189 = arith.constant 0 : i32
    %dma_wait3A_1190 = tpu.memref_slice %arg4[%dma_wait3A_1188, %dma_wait3A_1189] : memref<5120x768xf32, #tpu.memory_space<vmem>> -> memref<160x768xf32, #tpu.memory_space<vmem>>
    tpu.wait_dma2 semaphore(%arg6 : memref<!tpu.dma_semaphore, #tpu.memory_space<semaphore_mem>>) src(%dma_wait3A_1190 : memref<160x768xf32, #tpu.memory_space<vmem>>) dst(%dma_wait3A_1187 : memref<160x768xf32, #tpu.memory_space<any>>)
    %dma_wait3A_1191 = arith.constant 24576 : i32
    %dma_wait3A_1192 = arith.constant 0 : i32
    %dma_wait3A_1193 = tpu.memref_slice %arg3[%dma_wait3A_1191, %dma_wait3A_1192] : memref<131072x768xf32, #tpu.memory_space<any>> -> memref<160x768xf32, #tpu.memory_space<any>>
    %dma_wait3A_1194 = arith.constant 960 : i32
    %dma_wait3A_1195 = arith.constant 0 : i32
    %dma_wait3A_1196 = tpu.memref_slice %arg4[%dma_wait3A_1194, %dma_wait3A_1195] : memref<5120x768xf32, #tpu.memory_space<vmem>> -> memref<160x768xf32, #tpu.memory_space<vmem>>
    tpu.wait_dma2 semaphore(%arg6 : memref<!tpu.dma_semaphore, #tpu.memory_space<semaphore_mem>>) src(%dma_wait3A_1196 : memref<160x768xf32, #tpu.memory_space<vmem>>) dst(%dma_wait3A_1193 : memref<160x768xf32, #tpu.memory_space<any>>)
    %dma_wait3A_1197 = arith.constant 28672 : i32
    %dma_wait3A_1198 = arith.constant 0 : i32
    %dma_wait3A_1199 = tpu.memref_slice %arg3[%dma_wait3A_1197, %dma_wait3A_1198] : memref<131072x768xf32, #tpu.memory_space<any>> -> memref<160x768xf32, #tpu.memory_space<any>>
    %dma_wait3A_1200 = arith.constant 1120 : i32
    %dma_wait3A_1201 = arith.constant 0 : i32
    %dma_wait3A_1202 = tpu.memref_slice %arg4[%dma_wait3A_1200, %dma_wait3A_1201] : memref<5120x768xf32, #tpu.memory_space<vmem>> -> memref<160x768xf32, #tpu.memory_space<vmem>>
    tpu.wait_dma2 semaphore(%arg6 : memref<!tpu.dma_semaphore, #tpu.memory_space<semaphore_mem>>) src(%dma_wait3A_1202 : memref<160x768xf32, #tpu.memory_space<vmem>>) dst(%dma_wait3A_1199 : memref<160x768xf32, #tpu.memory_space<any>>)
    %dma_wait3A_1203 = arith.constant 32768 : i32
    %dma_wait3A_1204 = arith.constant 0 : i32
    %dma_wait3A_1205 = tpu.memref_slice %arg3[%dma_wait3A_1203, %dma_wait3A_1204] : memref<131072x768xf32, #tpu.memory_space<any>> -> memref<160x768xf32, #tpu.memory_space<any>>
    %dma_wait3A_1206 = arith.constant 1280 : i32
    %dma_wait3A_1207 = arith.constant 0 : i32
    %dma_wait3A_1208 = tpu.memref_slice %arg4[%dma_wait3A_1206, %dma_wait3A_1207] : memref<5120x768xf32, #tpu.memory_space<vmem>> -> memref<160x768xf32, #tpu.memory_space<vmem>>
    tpu.wait_dma2 semaphore(%arg6 : memref<!tpu.dma_semaphore, #tpu.memory_space<semaphore_mem>>) src(%dma_wait3A_1208 : memref<160x768xf32, #tpu.memory_space<vmem>>) dst(%dma_wait3A_1205 : memref<160x768xf32, #tpu.memory_space<any>>)
    %dma_wait3A_1209 = arith.constant 36864 : i32
    %dma_wait3A_1210 = arith.constant 0 : i32
    %dma_wait3A_1211 = tpu.memref_slice %arg3[%dma_wait3A_1209, %dma_wait3A_1210] : memref<131072x768xf32, #tpu.memory_space<any>> -> memref<160x768xf32, #tpu.memory_space<any>>
    %dma_wait3A_1212 = arith.constant 1440 : i32
    %dma_wait3A_1213 = arith.constant 0 : i32
    %dma_wait3A_1214 = tpu.memref_slice %arg4[%dma_wait3A_1212, %dma_wait3A_1213] : memref<5120x768xf32, #tpu.memory_space<vmem>> -> memref<160x768xf32, #tpu.memory_space<vmem>>
    tpu.wait_dma2 semaphore(%arg6 : memref<!tpu.dma_semaphore, #tpu.memory_space<semaphore_mem>>) src(%dma_wait3A_1214 : memref<160x768xf32, #tpu.memory_space<vmem>>) dst(%dma_wait3A_1211 : memref<160x768xf32, #tpu.memory_space<any>>)
    %dma_wait3A_1215 = arith.constant 40960 : i32
    %dma_wait3A_1216 = arith.constant 0 : i32
    %dma_wait3A_1217 = tpu.memref_slice %arg3[%dma_wait3A_1215, %dma_wait3A_1216] : memref<131072x768xf32, #tpu.memory_space<any>> -> memref<160x768xf32, #tpu.memory_space<any>>
    %dma_wait3A_1218 = arith.constant 1600 : i32
    %dma_wait3A_1219 = arith.constant 0 : i32
    %dma_wait3A_1220 = tpu.memref_slice %arg4[%dma_wait3A_1218, %dma_wait3A_1219] : memref<5120x768xf32, #tpu.memory_space<vmem>> -> memref<160x768xf32, #tpu.memory_space<vmem>>
    tpu.wait_dma2 semaphore(%arg6 : memref<!tpu.dma_semaphore, #tpu.memory_space<semaphore_mem>>) src(%dma_wait3A_1220 : memref<160x768xf32, #tpu.memory_space<vmem>>) dst(%dma_wait3A_1217 : memref<160x768xf32, #tpu.memory_space<any>>)
    %dma_wait3A_1221 = arith.constant 45056 : i32
    %dma_wait3A_1222 = arith.constant 0 : i32
    %dma_wait3A_1223 = tpu.memref_slice %arg3[%dma_wait3A_1221, %dma_wait3A_1222] : memref<131072x768xf32, #tpu.memory_space<any>> -> memref<160x768xf32, #tpu.memory_space<any>>
    %dma_wait3A_1224 = arith.constant 1760 : i32
    %dma_wait3A_1225 = arith.constant 0 : i32
    %dma_wait3A_1226 = tpu.memref_slice %arg4[%dma_wait3A_1224, %dma_wait3A_1225] : memref<5120x768xf32, #tpu.memory_space<vmem>> -> memref<160x768xf32, #tpu.memory_space<vmem>>
    tpu.wait_dma2 semaphore(%arg6 : memref<!tpu.dma_semaphore, #tpu.memory_space<semaphore_mem>>) src(%dma_wait3A_1226 : memref<160x768xf32, #tpu.memory_space<vmem>>) dst(%dma_wait3A_1223 : memref<160x768xf32, #tpu.memory_space<any>>)
    %dma_wait3A_1227 = arith.constant 49152 : i32
    %dma_wait3A_1228 = arith.constant 0 : i32
    %dma_wait3A_1229 = tpu.memref_slice %arg3[%dma_wait3A_1227, %dma_wait3A_1228] : memref<131072x768xf32, #tpu.memory_space<any>> -> memref<160x768xf32, #tpu.memory_space<any>>
    %dma_wait3A_1230 = arith.constant 1920 : i32
    %dma_wait3A_1231 = arith.constant 0 : i32
    %dma_wait3A_1232 = tpu.memref_slice %arg4[%dma_wait3A_1230, %dma_wait3A_1231] : memref<5120x768xf32, #tpu.memory_space<vmem>> -> memref<160x768xf32, #tpu.memory_space<vmem>>
    tpu.wait_dma2 semaphore(%arg6 : memref<!tpu.dma_semaphore, #tpu.memory_space<semaphore_mem>>) src(%dma_wait3A_1232 : memref<160x768xf32, #tpu.memory_space<vmem>>) dst(%dma_wait3A_1229 : memref<160x768xf32, #tpu.memory_space<any>>)
    %dma_wait3A_1233 = arith.constant 53248 : i32
    %dma_wait3A_1234 = arith.constant 0 : i32
    %dma_wait3A_1235 = tpu.memref_slice %arg3[%dma_wait3A_1233, %dma_wait3A_1234] : memref<131072x768xf32, #tpu.memory_space<any>> -> memref<160x768xf32, #tpu.memory_space<any>>
    %dma_wait3A_1236 = arith.constant 2080 : i32
    %dma_wait3A_1237 = arith.constant 0 : i32
    %dma_wait3A_1238 = tpu.memref_slice %arg4[%dma_wait3A_1236, %dma_wait3A_1237] : memref<5120x768xf32, #tpu.memory_space<vmem>> -> memref<160x768xf32, #tpu.memory_space<vmem>>
    tpu.wait_dma2 semaphore(%arg6 : memref<!tpu.dma_semaphore, #tpu.memory_space<semaphore_mem>>) src(%dma_wait3A_1238 : memref<160x768xf32, #tpu.memory_space<vmem>>) dst(%dma_wait3A_1235 : memref<160x768xf32, #tpu.memory_space<any>>)
    %dma_wait3A_1239 = arith.constant 57344 : i32
    %dma_wait3A_1240 = arith.constant 0 : i32
    %dma_wait3A_1241 = tpu.memref_slice %arg3[%dma_wait3A_1239, %dma_wait3A_1240] : memref<131072x768xf32, #tpu.memory_space<any>> -> memref<160x768xf32, #tpu.memory_space<any>>
    %dma_wait3A_1242 = arith.constant 2240 : i32
    %dma_wait3A_1243 = arith.constant 0 : i32
    %dma_wait3A_1244 = tpu.memref_slice %arg4[%dma_wait3A_1242, %dma_wait3A_1243] : memref<5120x768xf32, #tpu.memory_space<vmem>> -> memref<160x768xf32, #tpu.memory_space<vmem>>
    tpu.wait_dma2 semaphore(%arg6 : memref<!tpu.dma_semaphore, #tpu.memory_space<semaphore_mem>>) src(%dma_wait3A_1244 : memref<160x768xf32, #tpu.memory_space<vmem>>) dst(%dma_wait3A_1241 : memref<160x768xf32, #tpu.memory_space<any>>)
    %dma_wait3A_1245 = arith.constant 61440 : i32
    %dma_wait3A_1246 = arith.constant 0 : i32
    %dma_wait3A_1247 = tpu.memref_slice %arg3[%dma_wait3A_1245, %dma_wait3A_1246] : memref<131072x768xf32, #tpu.memory_space<any>> -> memref<160x768xf32, #tpu.memory_space<any>>
    %dma_wait3A_1248 = arith.constant 2400 : i32
    %dma_wait3A_1249 = arith.constant 0 : i32
    %dma_wait3A_1250 = tpu.memref_slice %arg4[%dma_wait3A_1248, %dma_wait3A_1249] : memref<5120x768xf32, #tpu.memory_space<vmem>> -> memref<160x768xf32, #tpu.memory_space<vmem>>
    tpu.wait_dma2 semaphore(%arg6 : memref<!tpu.dma_semaphore, #tpu.memory_space<semaphore_mem>>) src(%dma_wait3A_1250 : memref<160x768xf32, #tpu.memory_space<vmem>>) dst(%dma_wait3A_1247 : memref<160x768xf32, #tpu.memory_space<any>>)
    %dma_wait3A_1251 = arith.constant 65536 : i32
    %dma_wait3A_1252 = arith.constant 0 : i32
    %dma_wait3A_1253 = tpu.memref_slice %arg3[%dma_wait3A_1251, %dma_wait3A_1252] : memref<131072x768xf32, #tpu.memory_space<any>> -> memref<160x768xf32, #tpu.memory_space<any>>
    %dma_wait3A_1254 = arith.constant 2560 : i32
    %dma_wait3A_1255 = arith.constant 0 : i32
    %dma_wait3A_1256 = tpu.memref_slice %arg4[%dma_wait3A_1254, %dma_wait3A_1255] : memref<5120x768xf32, #tpu.memory_space<vmem>> -> memref<160x768xf32, #tpu.memory_space<vmem>>
    tpu.wait_dma2 semaphore(%arg6 : memref<!tpu.dma_semaphore, #tpu.memory_space<semaphore_mem>>) src(%dma_wait3A_1256 : memref<160x768xf32, #tpu.memory_space<vmem>>) dst(%dma_wait3A_1253 : memref<160x768xf32, #tpu.memory_space<any>>)
    %dma_wait3A_1257 = arith.constant 69632 : i32
    %dma_wait3A_1258 = arith.constant 0 : i32
    %dma_wait3A_1259 = tpu.memref_slice %arg3[%dma_wait3A_1257, %dma_wait3A_1258] : memref<131072x768xf32, #tpu.memory_space<any>> -> memref<160x768xf32, #tpu.memory_space<any>>
    %dma_wait3A_1260 = arith.constant 2720 : i32
    %dma_wait3A_1261 = arith.constant 0 : i32
    %dma_wait3A_1262 = tpu.memref_slice %arg4[%dma_wait3A_1260, %dma_wait3A_1261] : memref<5120x768xf32, #tpu.memory_space<vmem>> -> memref<160x768xf32, #tpu.memory_space<vmem>>
    tpu.wait_dma2 semaphore(%arg6 : memref<!tpu.dma_semaphore, #tpu.memory_space<semaphore_mem>>) src(%dma_wait3A_1262 : memref<160x768xf32, #tpu.memory_space<vmem>>) dst(%dma_wait3A_1259 : memref<160x768xf32, #tpu.memory_space<any>>)
    %dma_wait3A_1263 = arith.constant 73728 : i32
    %dma_wait3A_1264 = arith.constant 0 : i32
    %dma_wait3A_1265 = tpu.memref_slice %arg3[%dma_wait3A_1263, %dma_wait3A_1264] : memref<131072x768xf32, #tpu.memory_space<any>> -> memref<160x768xf32, #tpu.memory_space<any>>
    %dma_wait3A_1266 = arith.constant 2880 : i32
    %dma_wait3A_1267 = arith.constant 0 : i32
    %dma_wait3A_1268 = tpu.memref_slice %arg4[%dma_wait3A_1266, %dma_wait3A_1267] : memref<5120x768xf32, #tpu.memory_space<vmem>> -> memref<160x768xf32, #tpu.memory_space<vmem>>
    tpu.wait_dma2 semaphore(%arg6 : memref<!tpu.dma_semaphore, #tpu.memory_space<semaphore_mem>>) src(%dma_wait3A_1268 : memref<160x768xf32, #tpu.memory_space<vmem>>) dst(%dma_wait3A_1265 : memref<160x768xf32, #tpu.memory_space<any>>)
    %dma_wait3A_1269 = arith.constant 77824 : i32
    %dma_wait3A_1270 = arith.constant 0 : i32
    %dma_wait3A_1271 = tpu.memref_slice %arg3[%dma_wait3A_1269, %dma_wait3A_1270] : memref<131072x768xf32, #tpu.memory_space<any>> -> memref<160x768xf32, #tpu.memory_space<any>>
    %dma_wait3A_1272 = arith.constant 3040 : i32
    %dma_wait3A_1273 = arith.constant 0 : i32
    %dma_wait3A_1274 = tpu.memref_slice %arg4[%dma_wait3A_1272, %dma_wait3A_1273] : memref<5120x768xf32, #tpu.memory_space<vmem>> -> memref<160x768xf32, #tpu.memory_space<vmem>>
    tpu.wait_dma2 semaphore(%arg6 : memref<!tpu.dma_semaphore, #tpu.memory_space<semaphore_mem>>) src(%dma_wait3A_1274 : memref<160x768xf32, #tpu.memory_space<vmem>>) dst(%dma_wait3A_1271 : memref<160x768xf32, #tpu.memory_space<any>>)
    %dma_wait3A_1275 = arith.constant 81920 : i32
    %dma_wait3A_1276 = arith.constant 0 : i32
    %dma_wait3A_1277 = tpu.memref_slice %arg3[%dma_wait3A_1275, %dma_wait3A_1276] : memref<131072x768xf32, #tpu.memory_space<any>> -> memref<160x768xf32, #tpu.memory_space<any>>
    %dma_wait3A_1278 = arith.constant 3200 : i32
    %dma_wait3A_1279 = arith.constant 0 : i32
    %dma_wait3A_1280 = tpu.memref_slice %arg4[%dma_wait3A_1278, %dma_wait3A_1279] : memref<5120x768xf32, #tpu.memory_space<vmem>> -> memref<160x768xf32, #tpu.memory_space<vmem>>
    tpu.wait_dma2 semaphore(%arg6 : memref<!tpu.dma_semaphore, #tpu.memory_space<semaphore_mem>>) src(%dma_wait3A_1280 : memref<160x768xf32, #tpu.memory_space<vmem>>) dst(%dma_wait3A_1277 : memref<160x768xf32, #tpu.memory_space<any>>)
    %dma_wait3A_1281 = arith.constant 86016 : i32
    %dma_wait3A_1282 = arith.constant 0 : i32
    %dma_wait3A_1283 = tpu.memref_slice %arg3[%dma_wait3A_1281, %dma_wait3A_1282] : memref<131072x768xf32, #tpu.memory_space<any>> -> memref<160x768xf32, #tpu.memory_space<any>>
    %dma_wait3A_1284 = arith.constant 3360 : i32
    %dma_wait3A_1285 = arith.constant 0 : i32
    %dma_wait3A_1286 = tpu.memref_slice %arg4[%dma_wait3A_1284, %dma_wait3A_1285] : memref<5120x768xf32, #tpu.memory_space<vmem>> -> memref<160x768xf32, #tpu.memory_space<vmem>>
    tpu.wait_dma2 semaphore(%arg6 : memref<!tpu.dma_semaphore, #tpu.memory_space<semaphore_mem>>) src(%dma_wait3A_1286 : memref<160x768xf32, #tpu.memory_space<vmem>>) dst(%dma_wait3A_1283 : memref<160x768xf32, #tpu.memory_space<any>>)
    %dma_wait3A_1287 = arith.constant 90112 : i32
    %dma_wait3A_1288 = arith.constant 0 : i32
    %dma_wait3A_1289 = tpu.memref_slice %arg3[%dma_wait3A_1287, %dma_wait3A_1288] : memref<131072x768xf32, #tpu.memory_space<any>> -> memref<160x768xf32, #tpu.memory_space<any>>
    %dma_wait3A_1290 = arith.constant 3520 : i32
    %dma_wait3A_1291 = arith.constant 0 : i32
    %dma_wait3A_1292 = tpu.memref_slice %arg4[%dma_wait3A_1290, %dma_wait3A_1291] : memref<5120x768xf32, #tpu.memory_space<vmem>> -> memref<160x768xf32, #tpu.memory_space<vmem>>
    tpu.wait_dma2 semaphore(%arg6 : memref<!tpu.dma_semaphore, #tpu.memory_space<semaphore_mem>>) src(%dma_wait3A_1292 : memref<160x768xf32, #tpu.memory_space<vmem>>) dst(%dma_wait3A_1289 : memref<160x768xf32, #tpu.memory_space<any>>)
    %dma_wait3A_1293 = arith.constant 94208 : i32
    %dma_wait3A_1294 = arith.constant 0 : i32
    %dma_wait3A_1295 = tpu.memref_slice %arg3[%dma_wait3A_1293, %dma_wait3A_1294] : memref<131072x768xf32, #tpu.memory_space<any>> -> memref<160x768xf32, #tpu.memory_space<any>>
    %dma_wait3A_1296 = arith.constant 3680 : i32
    %dma_wait3A_1297 = arith.constant 0 : i32
    %dma_wait3A_1298 = tpu.memref_slice %arg4[%dma_wait3A_1296, %dma_wait3A_1297] : memref<5120x768xf32, #tpu.memory_space<vmem>> -> memref<160x768xf32, #tpu.memory_space<vmem>>
    tpu.wait_dma2 semaphore(%arg6 : memref<!tpu.dma_semaphore, #tpu.memory_space<semaphore_mem>>) src(%dma_wait3A_1298 : memref<160x768xf32, #tpu.memory_space<vmem>>) dst(%dma_wait3A_1295 : memref<160x768xf32, #tpu.memory_space<any>>)
    %dma_wait3A_1299 = arith.constant 98304 : i32
    %dma_wait3A_1300 = arith.constant 0 : i32
    %dma_wait3A_1301 = tpu.memref_slice %arg3[%dma_wait3A_1299, %dma_wait3A_1300] : memref<131072x768xf32, #tpu.memory_space<any>> -> memref<160x768xf32, #tpu.memory_space<any>>
    %dma_wait3A_1302 = arith.constant 3840 : i32
    %dma_wait3A_1303 = arith.constant 0 : i32
    %dma_wait3A_1304 = tpu.memref_slice %arg4[%dma_wait3A_1302, %dma_wait3A_1303] : memref<5120x768xf32, #tpu.memory_space<vmem>> -> memref<160x768xf32, #tpu.memory_space<vmem>>
    tpu.wait_dma2 semaphore(%arg6 : memref<!tpu.dma_semaphore, #tpu.memory_space<semaphore_mem>>) src(%dma_wait3A_1304 : memref<160x768xf32, #tpu.memory_space<vmem>>) dst(%dma_wait3A_1301 : memref<160x768xf32, #tpu.memory_space<any>>)
    %dma_wait3A_1305 = arith.constant 102400 : i32
    %dma_wait3A_1306 = arith.constant 0 : i32
    %dma_wait3A_1307 = tpu.memref_slice %arg3[%dma_wait3A_1305, %dma_wait3A_1306] : memref<131072x768xf32, #tpu.memory_space<any>> -> memref<160x768xf32, #tpu.memory_space<any>>
    %dma_wait3A_1308 = arith.constant 4000 : i32
    %dma_wait3A_1309 = arith.constant 0 : i32
    %dma_wait3A_1310 = tpu.memref_slice %arg4[%dma_wait3A_1308, %dma_wait3A_1309] : memref<5120x768xf32, #tpu.memory_space<vmem>> -> memref<160x768xf32, #tpu.memory_space<vmem>>
    tpu.wait_dma2 semaphore(%arg6 : memref<!tpu.dma_semaphore, #tpu.memory_space<semaphore_mem>>) src(%dma_wait3A_1310 : memref<160x768xf32, #tpu.memory_space<vmem>>) dst(%dma_wait3A_1307 : memref<160x768xf32, #tpu.memory_space<any>>)
    %dma_wait3A_1311 = arith.constant 106496 : i32
    %dma_wait3A_1312 = arith.constant 0 : i32
    %dma_wait3A_1313 = tpu.memref_slice %arg3[%dma_wait3A_1311, %dma_wait3A_1312] : memref<131072x768xf32, #tpu.memory_space<any>> -> memref<160x768xf32, #tpu.memory_space<any>>
    %dma_wait3A_1314 = arith.constant 4160 : i32
    %dma_wait3A_1315 = arith.constant 0 : i32
    %dma_wait3A_1316 = tpu.memref_slice %arg4[%dma_wait3A_1314, %dma_wait3A_1315] : memref<5120x768xf32, #tpu.memory_space<vmem>> -> memref<160x768xf32, #tpu.memory_space<vmem>>
    tpu.wait_dma2 semaphore(%arg6 : memref<!tpu.dma_semaphore, #tpu.memory_space<semaphore_mem>>) src(%dma_wait3A_1316 : memref<160x768xf32, #tpu.memory_space<vmem>>) dst(%dma_wait3A_1313 : memref<160x768xf32, #tpu.memory_space<any>>)
    %dma_wait3A_1317 = arith.constant 110592 : i32
    %dma_wait3A_1318 = arith.constant 0 : i32
    %dma_wait3A_1319 = tpu.memref_slice %arg3[%dma_wait3A_1317, %dma_wait3A_1318] : memref<131072x768xf32, #tpu.memory_space<any>> -> memref<160x768xf32, #tpu.memory_space<any>>
    %dma_wait3A_1320 = arith.constant 4320 : i32
    %dma_wait3A_1321 = arith.constant 0 : i32
    %dma_wait3A_1322 = tpu.memref_slice %arg4[%dma_wait3A_1320, %dma_wait3A_1321] : memref<5120x768xf32, #tpu.memory_space<vmem>> -> memref<160x768xf32, #tpu.memory_space<vmem>>
    tpu.wait_dma2 semaphore(%arg6 : memref<!tpu.dma_semaphore, #tpu.memory_space<semaphore_mem>>) src(%dma_wait3A_1322 : memref<160x768xf32, #tpu.memory_space<vmem>>) dst(%dma_wait3A_1319 : memref<160x768xf32, #tpu.memory_space<any>>)
    %dma_wait3A_1323 = arith.constant 114688 : i32
    %dma_wait3A_1324 = arith.constant 0 : i32
    %dma_wait3A_1325 = tpu.memref_slice %arg3[%dma_wait3A_1323, %dma_wait3A_1324] : memref<131072x768xf32, #tpu.memory_space<any>> -> memref<160x768xf32, #tpu.memory_space<any>>
    %dma_wait3A_1326 = arith.constant 4480 : i32
    %dma_wait3A_1327 = arith.constant 0 : i32
    %dma_wait3A_1328 = tpu.memref_slice %arg4[%dma_wait3A_1326, %dma_wait3A_1327] : memref<5120x768xf32, #tpu.memory_space<vmem>> -> memref<160x768xf32, #tpu.memory_space<vmem>>
    tpu.wait_dma2 semaphore(%arg6 : memref<!tpu.dma_semaphore, #tpu.memory_space<semaphore_mem>>) src(%dma_wait3A_1328 : memref<160x768xf32, #tpu.memory_space<vmem>>) dst(%dma_wait3A_1325 : memref<160x768xf32, #tpu.memory_space<any>>)
    %dma_wait3A_1329 = arith.constant 118784 : i32
    %dma_wait3A_1330 = arith.constant 0 : i32
    %dma_wait3A_1331 = tpu.memref_slice %arg3[%dma_wait3A_1329, %dma_wait3A_1330] : memref<131072x768xf32, #tpu.memory_space<any>> -> memref<160x768xf32, #tpu.memory_space<any>>
    %dma_wait3A_1332 = arith.constant 4640 : i32
    %dma_wait3A_1333 = arith.constant 0 : i32
    %dma_wait3A_1334 = tpu.memref_slice %arg4[%dma_wait3A_1332, %dma_wait3A_1333] : memref<5120x768xf32, #tpu.memory_space<vmem>> -> memref<160x768xf32, #tpu.memory_space<vmem>>
    tpu.wait_dma2 semaphore(%arg6 : memref<!tpu.dma_semaphore, #tpu.memory_space<semaphore_mem>>) src(%dma_wait3A_1334 : memref<160x768xf32, #tpu.memory_space<vmem>>) dst(%dma_wait3A_1331 : memref<160x768xf32, #tpu.memory_space<any>>)
    %dma_wait3A_1335 = arith.constant 122880 : i32
    %dma_wait3A_1336 = arith.constant 0 : i32
    %dma_wait3A_1337 = tpu.memref_slice %arg3[%dma_wait3A_1335, %dma_wait3A_1336] : memref<131072x768xf32, #tpu.memory_space<any>> -> memref<160x768xf32, #tpu.memory_space<any>>
    %dma_wait3A_1338 = arith.constant 4800 : i32
    %dma_wait3A_1339 = arith.constant 0 : i32
    %dma_wait3A_1340 = tpu.memref_slice %arg4[%dma_wait3A_1338, %dma_wait3A_1339] : memref<5120x768xf32, #tpu.memory_space<vmem>> -> memref<160x768xf32, #tpu.memory_space<vmem>>
    tpu.wait_dma2 semaphore(%arg6 : memref<!tpu.dma_semaphore, #tpu.memory_space<semaphore_mem>>) src(%dma_wait3A_1340 : memref<160x768xf32, #tpu.memory_space<vmem>>) dst(%dma_wait3A_1337 : memref<160x768xf32, #tpu.memory_space<any>>)
    %dma_wait3A_1341 = arith.constant 126976 : i32
    %dma_wait3A_1342 = arith.constant 0 : i32
    %dma_wait3A_1343 = tpu.memref_slice %arg3[%dma_wait3A_1341, %dma_wait3A_1342] : memref<131072x768xf32, #tpu.memory_space<any>> -> memref<160x768xf32, #tpu.memory_space<any>>
    %dma_wait3A_1344 = arith.constant 4960 : i32
    %dma_wait3A_1345 = arith.constant 0 : i32
    %dma_wait3A_1346 = tpu.memref_slice %arg4[%dma_wait3A_1344, %dma_wait3A_1345] : memref<5120x768xf32, #tpu.memory_space<vmem>> -> memref<160x768xf32, #tpu.memory_space<vmem>>
    tpu.wait_dma2 semaphore(%arg6 : memref<!tpu.dma_semaphore, #tpu.memory_space<semaphore_mem>>) src(%dma_wait3A_1346 : memref<160x768xf32, #tpu.memory_space<vmem>>) dst(%dma_wait3A_1343 : memref<160x768xf32, #tpu.memory_space<any>>)
    return
  }
  func.func @transform_0(%arg0: i32) -> (i32, i32) {
    %c0_i32 = arith.constant 0 : i32
    %c0_i32_0 = arith.constant 0 : i32
    %c0_i32_1 = arith.constant 0 : i32
    return %c0_i32, %c0_i32_0 : i32, i32
  }
  func.func @transform_1(%arg0: i32) -> (i32, i32) {
    %c0_i32 = arith.constant 0 : i32
    %c0_i32_0 = arith.constant 0 : i32
    %c0_i32_1 = arith.constant 0 : i32
    return %c0_i32, %c0_i32_0 : i32, i32
  }
}

</mosaic_0001>

<sc_bundles>
// kernel: kernel.4.cloned.1.call-start
scs
__scs_entry_jumppad:
0x0: {  	(pc) =	sbr.rel $0x88, $3  }
0x1: {  	(tag) =	ssettag $0x0;
	lr =	simm.s32 $0x1  }
0x2: {  	[smem:$0x3FA0] =	sst lr;
	_ =	strace $0xD0000000  }
0x3: {  	_ = 	snop  }
0x4: {  	_ = 	snop  }
0x5: {  	_ = 	snop  }
0x6: {  	_ = 	snop  }
0x7: {  	_ = 	snop  }
__scs_overlays_trampoline_lowered:
0x8: {  	[smem:$0x3FAF] =	sst s0  }
0x9: {  	[smem:$0x3FB0] =	sst s1  }
0xa: {  	[smem:$0x3FB1] =	sst s2  }
0xb: {  	[smem:$0x3FB2] =	sst s3  }
0xc: {  	[smem:$0x3FB3] =	sst s4  }
0xd: {  	[smem:$0x3FB4] =	sst s5  }
0xe: {  	[smem:$0x3FB5] =	sst s6  }
0xf: {  	[smem:$0x3FB6] =	sst s7  }
0x10: {  	[smem:$0x3FB7] =	sst s8  }
0x11: {  	[smem:$0x3FB8] =	sst s9;
	s0 =	simm.s32 @!p0 $0x0  }
0x12: {  	s1 =	sld [smem:$0x3F9E];
	s0 =	simm.s32 @p0 $0x1  }
0x13: {  	[smem:$0x3FB9] =	sst s0;
	s0 =	simm.s32 @!p1 $0x0  }
0x14: {  	s2 =	sld [smem:$0x3F9D];
	s0 =	simm.s32 @p1 $0x1  }
0x15: {  	[smem:$0x3FBA] =	sst s0;
	s0 =	simm.s32 @!p2 $0x0  }
0x16: {  	s3 =	sld [smem:$0x3FDB];
	s0 =	simm.s32 @p2 $0x1  }
0x17: {  	s4 =	simm.s32 $0x1BF5;
	[smem:$0x3FBC] =	sst s0  }
0x18: {  	s0 =	sld [smem:$0x3F9F];
	_ =	swait.ge [sflag:s4], $0x0  }
0x19: {  	s7 =	sld [smem:$0x3FA0]  }
0x1a: {  	s8 =	sadd.s32 $0xFFFFE003, lr  }
0x1b: {  	s9 =	sadd.s32 $0xFFFFFEF7, lr;
	s5 =	simm.s32 $0xFFFFFFFF;
	p2 =	slt.u32 s8, $0xFFFFF086  }
0x1c: {  	p1 =	slt.u32 s9, $0xF7A;
	s5 =	simm.s32 @!p2 $0x0  }
0x1d: {  	s5 =	simm.s32 @p1 $0x1;
	p0 =	seq.s32 s7, s2  }
0x1e: {  	s7 =	smul.u32 @!p0 $0xF7A, s2;
	p2 =	seq.s32 @!p0 s5, $0x0  }
0x1f: {  	s9 =	smul.u32 $0xF7A, s1;
	s8 =	simm.s32 @!p0 $0x1BF5;
	p2 =	por !p2, p0  }
0x20: {  	[sflag:s8] =	ssyncset.s32 @!p0 $0xFFFFF086;
	s6 =	sadd.s32 @!p0 s3, s7;
	s7 =	simm.s32 @!p0 $0x108  }
0x21: {  	s3 =	sadd.s32 s3, s9;
	s6 =	sadd.s32 @!p0 $0x88, s6;
	s7 =	simm.s32 @p2 $0x1082  }
0x22: {  	[simem:s7], [sflag:s8] =	dma.local @!p0 [hbm:s6], $0xF7A  }
0x23: {  	s9 =	sor.u32 $0xD0000000, s2;
	s6 =	simm.s32 $0x108;
	_ =	swait.ge @!p0 [sflag:s8], $0x0  }
0x24: {  	s3 =	sadd.s32 $0x88, s3;
	s6 =	simm.s32 @!p1 $0x1082;
	[sflag:s4] =	ssyncset.s32 $0xFFFFF086  }
0x25: {  	[simem:s6], [sflag:s4] =	dma.local [hbm:s3], $0xF7A  }
0x26: {  	[smem:$0x3FA0] =	sst s1;
	(tag) =	ssettag s2;
	_ =	strace s9  }
0x27: {  	s1 =	sld [smem:$0x3FB0]  }
0x28: {  	s2 =	sld [smem:$0x3FB1]  }
0x29: {  	s4 =	sld [smem:$0x3FB3]  }
0x2a: {  	p0 =	seq.s32 s5, $0x0;
	s5 =	sld [smem:$0x3FB4]  }
0x2b: {  	s6 =	sld [smem:$0x3FB5]  }
0x2c: {  	s7 =	sld [smem:$0x3FB6]  }
0x2d: {  	s3 =	simm.s32 $0x108;
	s8 =	sld [smem:$0x3FB7]  }
0x2e: {  	s3 =	simm.s32 @!p0 $0x1082;
	s9 =	sld [smem:$0x3FB8]  }
0x2f: {  	lr =	sadd.s32 s0, s3;
	s0 =	sld [smem:$0x3FAF]  }
0x30: {  	s3 =	sld [smem:$0x3FB2]  }
0x31: {  	[smem:$0x3FBB] =	sst s10  }
0x32: {  	s10 =	sld [smem:$0x3FB9];
	_ =	sdelay $0x3  }
0x33: {  	p0 =	seq.s32 s10, $0x1;
	s10 =	sld [smem:$0x3FBB];
	_ =	sdelay $0x3  }
0x34: {  	[smem:$0x3FBB] =	sst s10  }
0x35: {  	s10 =	sld [smem:$0x3FBA];
	_ =	sdelay $0x3  }
0x36: {  	p1 =	seq.s32 s10, $0x1;
	s10 =	sld [smem:$0x3FBB];
	_ =	sdelay $0x3  }
0x37: {  	[smem:$0x3FBB] =	sst s10  }
0x38: {  	s10 =	sld [smem:$0x3FBC]  }
0x39: {  	_ = 	snop;
	(pc) =	sbr.ind lr, $3  }
0x3a: {  	_ = 	snop  }
0x3b: {  	_ = 	snop  }
0x3c: {  	p2 =	seq.s32 s10, $0x1;
	s10 =	sld [smem:$0x3FBB]  }
0x3d: {  	_ =	shalt  }
0x3e: {  	_ =	shalt  }
0x3f: {  	_ =	shalt  }
0x40: {  	_ =	shalt  }
0x41: {  	_ =	shalt  }
0x42: {  	_ =	shalt  }
0x43: {  	_ =	shalt  }
0x44: {  	_ =	shalt  }
0x45: {  	_ =	shalt  }
0x46: {  	_ =	shalt  }
0x47: {  	_ =	shalt  }
0x48: {  	_ =	shalt  }
0x49: {  	_ =	shalt  }
0x4a: {  	_ =	shalt  }
0x4b: {  	_ =	shalt  }
0x4c: {  	_ =	shalt  }
0x4d: {  	_ =	shalt  }
0x4e: {  	_ =	shalt  }
0x4f: {  	_ =	shalt  }
0x50: {  	_ =	shalt  }
0x51: {  	_ =	shalt  }
0x52: {  	_ =	shalt  }
0x53: {  	_ =	shalt  }
0x54: {  	_ =	shalt  }
0x55: {  	_ =	shalt  }
0x56: {  	_ =	shalt  }
0x57: {  	_ =	shalt  }
0x58: {  	_ =	shalt  }
0x59: {  	_ =	shalt  }
0x5a: {  	_ =	shalt  }
0x5b: {  	_ =	shalt  }
0x5c: {  	_ =	shalt  }
0x5d: {  	_ =	shalt  }
0x5e: {  	_ =	shalt  }
0x5f: {  	_ =	shalt  }
0x60: {  	_ =	shalt  }
0x61: {  	_ =	shalt  }
0x62: {  	_ =	shalt  }
0x63: {  	_ =	shalt  }
0x64: {  	_ =	shalt  }
0x65: {  	_ =	shalt  }
0x66: {  	_ =	shalt  }
0x67: {  	_ =	shalt  }
0x68: {  	_ =	shalt  }
0x69: {  	_ =	shalt  }
0x6a: {  	_ =	shalt  }
0x6b: {  	_ =	shalt  }
0x6c: {  	_ =	shalt  }
0x6d: {  	_ =	shalt  }
0x6e: {  	_ =	shalt  }
0x6f: {  	_ =	shalt  }
0x70: {  	_ =	shalt  }
0x71: {  	_ =	shalt  }
0x72: {  	_ =	shalt  }
0x73: {  	_ =	shalt  }
0x74: {  	_ =	shalt  }
0x75: {  	_ =	shalt  }
0x76: {  	_ =	shalt  }
0x77: {  	_ =	shalt  }
0x78: {  	_ =	shalt  }
0x79: {  	_ =	shalt  }
0x7a: {  	_ =	shalt  }
0x7b: {  	_ =	shalt  }
0x7c: {  	_ =	shalt  }
0x7d: {  	_ =	shalt  }
0x7e: {  	_ =	shalt  }
0x7f: {  	_ =	shalt  }
0x80: {  	_ =	shalt  }
0x81: {  	_ =	shalt  }
0x82: {  	_ =	shalt  }
0x83: {  	_ =	shalt  }
0x84: {  	_ =	shalt  }
0x85: {  	_ =	shalt  }
0x86: {  	_ =	shalt  }
0x87: {  	_ =	shalt  }
.Lfunc_end0:
.L_simem_size_0:
called_computation_lowered:
.L_overlay_start_0:
0x88: {  	s2 =	sld [smem:$0x3FD9]  }
0x89: {  	s3 =	sld [smem:$0x3FFE];
	_ =	sdelay $0x1  }
0x8a: {  	s1 =	srdreg.scid  }
0x8b: {  	s0 =	sand.u32 $0x1, s1  }
0x8c: {  	s18 =	sshll.u32 s0, $0xA;
	s2 =	sadd.s32 s3, s2  }
0x8d: {  	s2 =	sadd.s32 s2, s18  }
0x8e: {  	[smem:$0x3FC7] =	sst s2  }
0x8f: {  	_ = 	snop  }
0x90: {  	s2 =	sld [smem:$0x3FC9]  }
0x91: {  	s19 =	sld [smem:$0x3FD0];
	(tm) =	ssettm $0x1  }
0x92: {  	s4 =	sld [smem:$0x3FFB];
	_ =	sdelay $0x3  }
0x93: {  	_ =	strace s4  }
0x94: {  	s4 =	sld [smem:$0x3FFC];
	_ =	sdelay $0x3  }
0x95: {  	_ =	strace s4  }
0x96: {  	s4 =	sld [smem:$0x3FFD];
	_ =	sdelay $0x3  }
0x97: {  	_ =	strace s4  }
0x98: {  	_ =	strace $0x8FFFFFFF  }
0x99: {  	s20 =	sld [smem:$0x3FDB];
	_ =	sdelay $0x1  }
0x9a: {  	s5 =	simm.s32 $_scs_section_size  }
0x9b: {  	s6 =	simm.s32 $_size__tile_overlayer_lowered;
	s7 =	simm.s32 $_tile_overlayer_lowered  }
0x9c: {  	s23 =	simm.s32 $0x1BFF;
	s22 =	sshll.u32 s7, $0x1;
	s4 =	sadd.s32 s5, s20  }
0x9d: {  	s8 =	simm.s32 $0x0;
	s21 =	sshll.u32 s6, $0x1;
	s6 =	sadd.s32 s22, s4  }
0x9e: {  	[timem:s8], [sflag:s23] =	dma.local [hbm:s6], s21  }
0x9f: {  	_ =	swait.ge [sflag:s23], s21  }
0xa0: {  	s5 =	ssub.s32 $0x0, s21;
	[sflag:s23] =	ssyncset.done $0x0  }
0xa1: {  	[sflag:s23] =	ssyncadd.s32 s5;
	_ =	sdelay $0x1  }
0xa2: {  	s24 =	simm.s32 $0x1B8B  }
0xa3: {  	_ =	swait.ge [sflag:s24], $0x1  }
0xa4: {  	[sflag:s24] =	ssyncset.done $0x0  }
0xa5: {  	s25 =	simm.s32 $0x1B8E;
	[sflag:s24] =	ssyncadd.s32 $0xFFFFFFFF  }
0xa6: {  	s26 =	simm.s32 $execute0_lowered;
	[smem:$0x3FD2] =	sst s25  }
0xa7: {  	s5 =	sshll.u32 s26, $0x1;
	_ =	strace $0x80000046;
	[dreg:$0x1] =	wrdreg $0xFFFFFFFF  }
0xa8: {  	s28 =	simm.s32 $_size_execute0_lowered;
	s4 =	sadd.s32 s4, s5;
	[dreg:$0x0] =	wrdreg $0x0  }
0xa9: {  	s5 =	sshll.u32 s28, $0x1;
	[dreg:$0x2] =	wrdreg s4  }
0xaa: {  	[dreg:$0x3] =	wrdreg s5  }
0xab: {  	[dreg:$0x4] =	wrdreg $0xC0  }
0xac: {  	_ =	task [dreg:s8], $0x5FFFF  }
0xad: {  	[dreg:$0x1] =	wrdreg $0xFFFFFFFF  }
0xae: {  	[dreg:$0x0] =	wrdreg $0x60  }
0xaf: {  	[dreg:$0x2] =	wrdreg s2  }
0xb0: {  	[dreg:$0x3] =	wrdreg s19  }
0xb1: {  	[dreg:$0x4] =	wrdreg $0x9  }
0xb2: {  	_ =	task.clear_ibuf [dreg:s8], $0x5FFFF;
	_ =	strace $0x90000046  }
0xb3: {  	s29 =	simm.s32 $0x9;
	_ =	strace $0x80000048  }
0xb4: {  	_ =	swait.ge [sflag:s29], $0x1  }
0xb5: {  	[sflag:s29] =	ssyncadd.s32 $0xFFFFFFFF  }
0xb6: {  	_ =	strace $0x90000048  }
0xb7: {  	_ =	sfence  }
0xb8: {  	s30 =	sld [smem:$0x0];
	_ =	sdelay $0x2  }
0xb9: {  	s31 =	sshll.u32 s1, $0xD;
	s1 =	sshrl.u32 s1, $0x2  }
0xba: {  	s3 =	sand.u32 $0x4000, s31;
	s1 =	sadd.s32 s1, s30  }
0xbb: {  	s0 =	sor.u32 s3, s0;
	s1 =	sshll.u32 s1, $0x11  }
0xbc: {  	s0 =	sor.u32 s1, s0  }
0xbd: {  	s0 =	sadd.s32 $0x8F2B, s0  }
0xbe: {  	[sflag:s0] =	ssyncadd.remote.s32 $0x1  }
0xbf: {  	_ =	sfence.sel $0xFFFF  }
0xc0: {  	[dreg:$0x0] =	wrdreg $0xFFFFFFFF;
	(pc) =	sbr.abs _section_cstart, $3  }
0xc1: {  	[dreg:$0x1] =	wrdreg $0xFFFFFFFF  }
0xc2: {  	_ =	task.clear_ibuf [dreg:s8], $0x2FFFF;
	_ =	strace $0x9FFFFFFF  }
0xc3: {  	(tm) =	ssettm $0x7FFFFFFF  }
tec
execute0_lowered:
.L_overlay_start_1:
0x0: {  	(tag) =	ssettag $0x1  }
0x1: {  	s1 =	srdreg.scid  }
0x2: {  	s0 =	stileid.u32;
	s10 =	sand.u32 $0x1, s1  }
0x3: {  	v2 =	vlaneseq.u32;
	s30 =	sshll.u32 s0, $0x4;
	s2 =	sshll.u32 s10, $0x3  }
0x4: {  	v0 =	vmul.u32 $0xFFFFFFFF, v2;
	s1 =	sor.u32 s2, s30  }
0x5: {  	s11 =	smin.u32 s1, $0xB0  }
0x6: {  	v0 =	vadd.s32 $0x9E, v0;
	v1 =	vmov s11  }
0x7: {  	v0 =	vsub.s32 v0, v1  }
0x8: {  	vm0 =	vgt.s32 v0, $0x0  }
0x9: {  	v0 =	vnsel vm0, $0x0, v0  }
0xa: {  	v1 =	vshrl.u32 v0, $0x3  }
0xb: {  	v1 =	vmul.u32 $0x30, v1  }
0xc: {  	v3 =	vand.u32 $0x7, v0  }
0xd: {  	v4 =	vshrl.u32 v2, $0x3;
	v3 =	vor.u32 v3, v1;
	v1 =	vand.u32 $0x7, v2  }
0xe: {  	v4 =	vmul.u32 $0x8, v4;
	v1 =	vperm.xlane v3, v1;
	_ =	sdelay $0x1  }
0xf: {  	v1 =	vadd.s32 v4, v1  }
0x10: {  	s13 =	rddreg [dreg:$0x1];
	s3 =	simm.s32 $0x0  }
0x11: {  	[smem:$0x7FF] =	sst s3  }
0x12: {  	s2 =	rddreg [dreg:$0x0];
	v2 =	vor.u32 $0x8, v2  }
0x13: {  	s4 =	simm.s32 $0x80;
	s1 =	rddreg [dreg:$0x2];
	_ =	strace $0x80000047;
	vm0 =	vmmov $0xffff;
	[tilespmem:$0x0] =	vst v0;
	v2 =	vperm.xlane v3, v2  }
0x14: {  	[tilespmem:s4], [sflag:$0x1] =	stream.indirect_vreg.gather [hbm4b:s2+s3], $0x80, v1, vm0, $0xb8;
	[tilespmem:$0x3080] =	vst v63  }
0x15: {  	s6 =	simm.s32 $0x880;
	s5 =	sadd.s32 $0x100, s2;
	v2 =	vadd.s32 v4, v2  }
0x16: {  	[tilespmem:s6], [sflag:$0x1] =	stream.indirect_vreg.gather [hbm4b:s5+s3], $0x80, v1, vm0, $0xb8;
	[tilespmem:$0x3080] =	vst v63  }
0x17: {  	s8 =	simm.s32 $0x1080;
	s14 =	ssub.s32 $0x2, s10;
	s7 =	sadd.s32 $0x200, s2  }
0x18: {  	[tilespmem:s8], [sflag:$0x1] =	stream.indirect_vreg.gather [hbm4b:s7+s3], $0x80, v1, vm0, $0xb8;
	[tilespmem:$0x3080] =	vst v63  }
0x19: {  	s9 =	simm.s32 $0x1880;
	s12 =	simm.s32 $0x1;
	s16 =	sshrl.u32 s14, $0x1  }
0x1a: {  	[tilespmem:s9], [sflag:$0x1] =	stream.indirect_vreg.gather [hbm4b:s2+s3], $0x80, v2, vm0, $0xb8;
	[tilespmem:$0x3080] =	vst v63  }
0x1b: {  	s10 =	simm.s32 $0x2080;
	s14 =	ssub.s32 s14, s16;
	s11 =	sshrl.u32 s11, $0x3  }
0x1c: {  	[tilespmem:s10], [sflag:$0x1] =	stream.indirect_vreg.gather [hbm4b:s5+s3], $0x80, v2, vm0, $0xb8;
	[tilespmem:$0x3080] =	vst v63  }
0x1d: {  	s31 =	smax.u32 s14, $0x1;
	s15 =	smul.u32 $0x300, s11;
	s11 =	simm.s32 $0x2880  }
0x1e: {  	[tilespmem:s11], [sflag:$0x1] =	stream.indirect_vreg.gather [hbm4b:s7+s3], $0x80, v2, vm0, $0xb8;
	[tilespmem:$0x3080] =	vst v63  }
0x1f: {  	p0 =	sne.s32 s31, $0x1;
	_ =	swait.ge [sflag:s12], $0x3000  }
.Ltmp0:
0x20: {  	[sflag:s12] =	ssyncset.done $0x0;
	(pc) =	sbr.rel @!p0 .LBB2_2-.Ltmp0, $4  }
0x21: {  	s14 =	simm.s32 $0x2;
	s13 =	sadd.s32 s13, s15;
	[sflag:s12] =	ssyncadd.s32 $0xFFFFD000  }
0x22: {  	[hbm4b:s13+s3] =	stream.linear.scatter [tilespmem:s4], [sflag:$0x2], $0x3000, $0x38;
	[tilespmem:$0x3080] =	vst v63  }
0x23: {  	_ =	swait.ge [sflag:s14], $0x3000  }
0x24: {  	s15 =	sadd.s32 $0xFFFFFFFF, s31;
	[sflag:s14] =	ssyncset.done $0x0  }
.LBB2_1:
0x25: {  	p0 =	sne.s32 s15, $0x1;
	s15 =	sadd.s32 $0xFFFFFFFF, s15;
	[sflag:s14] =	ssyncadd.s32 $0xFFFFD000  }
0x26: {  	[tilespmem:$0x0] =	vst v0  }
0x27: {  	[tilespmem:s4], [sflag:$0x1] =	stream.indirect_vreg.gather [hbm4b:s2+s3], $0x80, v1, vm0, $0xb8;
	[tilespmem:$0x3080] =	vst v63  }
0x28: {  	_ = 	snop  }
0x29: {  	[tilespmem:s6], [sflag:$0x1] =	stream.indirect_vreg.gather [hbm4b:s5+s3], $0x80, v1, vm0, $0xb8;
	[tilespmem:$0x3080] =	vst v63  }
0x2a: {  	_ = 	snop  }
0x2b: {  	[tilespmem:s8], [sflag:$0x1] =	stream.indirect_vreg.gather [hbm4b:s7+s3], $0x80, v1, vm0, $0xb8;
	[tilespmem:$0x3080] =	vst v63  }
0x2c: {  	_ = 	snop  }
0x2d: {  	[tilespmem:s9], [sflag:$0x1] =	stream.indirect_vreg.gather [hbm4b:s2+s3], $0x80, v2, vm0, $0xb8;
	[tilespmem:$0x3080] =	vst v63  }
0x2e: {  	_ = 	snop  }
0x2f: {  	[tilespmem:s10], [sflag:$0x1] =	stream.indirect_vreg.gather [hbm4b:s5+s3], $0x80, v2, vm0, $0xb8;
	[tilespmem:$0x3080] =	vst v63  }
0x30: {  	_ = 	snop  }
0x31: {  	[tilespmem:s11], [sflag:$0x1] =	stream.indirect_vreg.gather [hbm4b:s7+s3], $0x80, v2, vm0, $0xb8;
	[tilespmem:$0x3080] =	vst v63  }
0x32: {  	_ =	swait.ge [sflag:s12], $0x3000  }
.Ltmp1:
0x33: {  	[sflag:s12] =	ssyncset.done $0x0;
	(pc) =	sbr.rel @p0 .LBB2_1-.Ltmp1, $4  }
0x34: {  	[sflag:s12] =	ssyncadd.s32 $0xFFFFD000  }
0x35: {  	[hbm4b:s13+s3] =	stream.linear.scatter [tilespmem:s4], [sflag:$0x2], $0x3000, $0x38;
	[tilespmem:$0x3080] =	vst v63  }
0x36: {  	_ =	swait.ge [sflag:s14], $0x3000  }
0x37: {  	[sflag:s14] =	ssyncset.done $0x0  }
.LBB2_2:
0x38: {  	[sflag:s14] =	ssyncadd.s32 $0xFFFFD000  }
0x39: {  	_ =	sfence.sel $0x180000  }
0x3a: {  	[bflag:$0x0] =	sbarrier.arrive $0xFFFF  }
0x3b: {  	p0 =	sne.s32 s0, $0x0;
	_ =	strace $0x90000047  }
0x3c: {  	s0 =	sadd.s32 @!p0 $0x100000, s1;
	[bflag:$0x2] =	sbarrier.arrive $0xFFFF  }
0x3d: {  	[sflag:s0] =	ssyncadd.tile.s32 @!p0 $0x1;
	_ =	shalt  }
.Lfunc_end2:
_tile_overlayer_lowered:
.L_overlay_start_2:
0x3e: {  	(tag) =	ssettag $0x2  }
0x3f: {  	s0 =	rddreg [dreg:$0x0];
	s2 =	stileid.u32  }
0x40: {  	s1 =	rddreg [dreg:$0x1];
	p0 =	sne.s32 s2, $0x0  }
0x41: {  	s3 =	rddreg [dreg:$0x2];
	[bflag:$0x3] =	sbarrier.arrive $0xFFFF;
	s2 =	simm.s32 @!p0 $0x1C02  }
0x42: {  	[timem:s3], [sflag:s2] =	dma.local @!p0 [hbm:s0], s1  }
0x43: {  	s0 =	simm.s32 @!p0 $0x2  }
0x44: {  	_ =	swait.ge @!p0 [sflag:s0], s1  }
0x45: {  	s1 =	ssub.s32 @!p0 $0x0, s1;
	[sflag:s0] =	ssyncset.done @!p0 $0x0  }
0x46: {  	[sflag:s0] =	ssyncadd.s32 @!p0 s1  }
0x47: {  	[bflag:$0x3] =	sbarrier.arrive $0xFFFF  }
0x48: {  	_ =	shalt  }

</sc_bundles>
